<compile_context>
chip_gen: v7x
topology: tpu7x:2x2x1
jax: 0.10.2.dev20260603
libtpu: 0.0.44.dev20260713+nightly
codegen_flags: <defaults>
</compile_context>

<pallas_src>
import functools

import jax
import jax.numpy as jnp
from jax import lax
from jax.experimental import pallas as pl
from jax.experimental.pallas import tpu as pltpu
from jax.experimental.pallas import tpu_sc as plsc

_B = 4096
_S = 50
_D = 64
_V = 1000000
_NC = 2
_NS = 16
_CPC = _D // _NC
_BH = _B // 128
_MAXNS = 4


def _sc_body(tokt_hbm, lbl_hbm, tablet_hbm, st_hbm, pt_hbm,
             hyb_out, tok_out,
             idx0, idx1, idx2, idx3, lbl_v, st_v, pt_v, svec, ga, gb,
             tbuf, hbuf, crow, sem_ga, sem_gb, sem_to, sem_ho):
    core = lax.axis_index("c")
    sid = lax.axis_index("s")
    idx_bufs = (idx0, idx1, idx2, idx3)

    pltpu.sync_copy(st_hbm, st_v)
    pltpu.sync_copy(pt_hbm, pt_v)
    pltpu.sync_copy(lbl_hbm, lbl_v)

    for k in range(_MAXNS):
        if k < 3:
            pltpu.sync_copy(tokt_hbm.at[sid + 16 * k], idx_bufs[k])
        else:
            @pl.when(sid + 16 * k < _S)
            def _stage_last():
                pltpu.sync_copy(tokt_hbm.at[sid + 16 * k], idx_bufs[k])

    @pl.loop(0, _CPC)
    def _comp(j):
        c = core * _CPC + j
        @pl.when(sid == 0)
        def _stage():
            pltpu.sync_copy(tablet_hbm.at[c], crow)

        plsc.subcore_barrier()

        g_bufs = (ga, gb)
        sem_g = (sem_ga, sem_gb)

        def _fire(k):
            pltpu.async_copy(crow.at[idx_bufs[k]], g_bufs[k % 2],
                             sem_g[k % 2])

        _fire(0)

        cbase = c * 4

        @pl.loop(0, _BH)
        def _mkstyle(r):
            for k in range(8):
                sl = pl.ds(k * 16, 16)
                idx = jnp.full((16,), cbase, jnp.int32) + lbl_v[r, sl]
                svec[r, sl] = plsc.load_gather(st_v, [idx])

        chi = lax.div(c, 8)
        clo = lax.rem(c, 8)

        def _do_plane(k):
            s = sid + 16 * k
            gk = g_bufs[k % 2]
            pltpu.make_async_copy(
                crow.at[idx_bufs[k]], gk, sem_g[k % 2]).wait()
            if k + 1 < 3:
                _fire(k + 1)
            elif k + 1 == 3:
                @pl.when(sid + 48 < _S)
                def _fire_last():
                    _fire(3)
            @pl.when(jnp.logical_or(j > 0, k > 0))
            def _drain():
                pltpu.make_async_copy(
                    tbuf, tok_out.at[0, 0, :, 0, :], sem_to).wait()
                pltpu.make_async_copy(
                    hbuf, hyb_out.at[0, 0, :, 0, :], sem_ho).wait()

            pidx = jnp.full((16,), c * _S + s, jnp.int32)
            pspl = plsc.load_gather(pt_v, [pidx])

            @pl.loop(0, _BH)
            def _add(r):
                for kk in range(8):
                    sl = pl.ds(kk * 16, 16)
                    g = gk[pl.ds(r * 128 + kk * 16, 16)]
                    tbuf[r, sl] = g
                    hbuf[r, sl] = g + svec[r, sl] + pspl

            pltpu.async_copy(tbuf, tok_out.at[s, chi, :, clo, :], sem_to)
            pltpu.async_copy(hbuf, hyb_out.at[s, chi, :, clo, :], sem_ho)

        for k in range(_MAXNS):
            if k < 3:
                _do_plane(k)
            else:
                @pl.when(sid + 16 * k < _S)
                def _last_plane():
                    _do_plane(k)

        plsc.subcore_barrier()

    pltpu.make_async_copy(tbuf, tok_out.at[0, 0, :, 0, :], sem_to).wait()
    pltpu.make_async_copy(hbuf, hyb_out.at[0, 0, :, 0, :], sem_ho).wait()


@jax.jit
def _sc_call(tokt, lbl2, tablet, st_flat, pt_flat):
    mesh = plsc.VectorSubcoreMesh(core_axis_name="c", subcore_axis_name="s")
    run = pl.kernel(
        _sc_body,
        out_type=(
            jax.ShapeDtypeStruct((_S, 8, _BH, 8, 128), jnp.float32),
            jax.ShapeDtypeStruct((_S, 8, _BH, 8, 128), jnp.float32),
        ),
        mesh=mesh,
        scratch_types=[
            pltpu.VMEM((_B,), jnp.int32),
            pltpu.VMEM((_B,), jnp.int32),
            pltpu.VMEM((_B,), jnp.int32),
            pltpu.VMEM((_B,), jnp.int32),
            pltpu.VMEM((_BH, 128), jnp.int32),
            pltpu.VMEM((4 * _D,), jnp.float32),
            pltpu.VMEM((_D * _S,), jnp.float32),
            pltpu.VMEM((_BH, 128), jnp.float32),
            pltpu.VMEM((_B,), jnp.float32),
            pltpu.VMEM((_B,), jnp.float32),
            pltpu.VMEM((_BH, 128), jnp.float32),
            pltpu.VMEM((_BH, 128), jnp.float32),
            pltpu.VMEM_SHARED((_V,), jnp.float32),
            pltpu.SemaphoreType.DMA,
            pltpu.SemaphoreType.DMA,
            pltpu.SemaphoreType.DMA,
            pltpu.SemaphoreType.DMA,
        ],
        compiler_params=pltpu.CompilerParams(
            use_tc_tiling_on_sc=True, needs_layout_passes=False),
    )
    return run(tokt, lbl2, tablet, st_flat, pt_flat)


def kernel(tokens, labels, token_table, style_table, posit_table):
    seq = tokens.shape[1]
    tokt = tokens.T.astype(jnp.int32)
    lbl2 = labels.reshape(_BH, 128).astype(jnp.int32)
    tablet = token_table.T
    st_flat = style_table.T.reshape(-1)
    pt_flat = posit_table[:seq].T.reshape(-1)
    hyb5, tok5 = _sc_call(tokt, lbl2, tablet, st_flat, pt_flat)
    hyb = hyb5.transpose(2, 4, 0, 1, 3).reshape(_B, seq, _D)
    tok = tok5.transpose(2, 4, 0, 1, 3).reshape(_B, seq, _D)
    return hyb, tok

# --- scband reference (transcript-rebuilt; emitter-appended) ---
"""Pipeline reference for scband-hybrid-embedding-67156108640629 (READ-ONLY COPY).

The authoritative reference and input builder live on the scoring server;
editing this copy changes nothing except your own understanding.
"""

import jax, jax.numpy as jnp
import numpy as np

N_VOCAB = 1000000
D_MODEL = 64
N_CLASS = 4
PAD_IDX = 0
BATCH = 4096
SEQ = 50


def setup_inputs(seed: int = 0) -> dict:
    key = jax.random.key(seed)
    k1, k2, k3, k4, k5 = jax.random.split(key, 5)
    tokens = jax.random.randint(k1, (BATCH, SEQ), 0, N_VOCAB, dtype=jnp.int64 if jax.config.jax_enable_x64 else jnp.int32)
    labels = jax.random.randint(k2, (BATCH,), 0, N_CLASS, dtype=jnp.int64 if jax.config.jax_enable_x64 else jnp.int32)
    token_table = jax.random.normal(k3, (N_VOCAB, D_MODEL), dtype=jnp.float32)
    # nn.Embedding padding_idx row is initialized to zeros
    token_table = token_table.at[PAD_IDX].set(0.0)
    style_table = jax.random.normal(k4, (N_CLASS, D_MODEL), dtype=jnp.float32)
    posit_table = jax.random.normal(k5, (100, D_MODEL), dtype=jnp.float32)
    return {"tokens": tokens, "labels": labels, "token_table": token_table, "style_table": style_table, "posit_table": posit_table}


def reference(tokens, labels, token_table, style_table, posit_table):
    # token_emb = self.token_embedding(tokens)
    token_emb = jnp.take(token_table, tokens, axis=0)
    # positional embedding: arange(seq_len) broadcast over batch
    pos_ids = jnp.arange(tokens.shape[1])[None, :]
    hybrid_emb = token_emb + jnp.take(posit_table, pos_ids, axis=0)
    # labels is not None in this configuration
    hybrid_emb = hybrid_emb + jnp.take(style_table, labels[:, None], axis=0)
    return (hybrid_emb, token_emb)

if __name__ == "__main__":
    import jax
    _d = setup_inputs()
    print(jax.jit(kernel)(*tuple(_d.values())))

</pallas_src>

<mosaic_0001>
#map = affine_map<(d0, d1) -> (0, 0)>
#map1 = affine_map<(d0, d1) -> (0)>
#map2 = affine_map<(d0, d1) -> (0, 0, 0, 0, 0)>
module attributes {stable_mosaic.version = 14 : i64} {
  func.func @_sc_body(%arg0: i32, %arg1: i32, %arg2: memref<50x4096xi32, #tpu.memory_space<hbm>>, %arg3: memref<32x128xi32, #tpu.memory_space<hbm>>, %arg4: memref<64x1000000xf32, #tpu.memory_space<hbm>>, %arg5: memref<256xf32, #tpu.memory_space<hbm>>, %arg6: memref<3200xf32, #tpu.memory_space<hbm>>, %arg7: memref<50x8x32x8x128xf32, #tpu.memory_space<hbm>>, %arg8: memref<50x8x32x8x128xf32, #tpu.memory_space<hbm>>, %arg9: memref<4096xi32, #tpu.memory_space<vmem>>, %arg10: memref<4096xi32, #tpu.memory_space<vmem>>, %arg11: memref<4096xi32, #tpu.memory_space<vmem>>, %arg12: memref<4096xi32, #tpu.memory_space<vmem>>, %arg13: memref<32x128xi32, #tpu.memory_space<vmem>>, %arg14: memref<256xf32, #tpu.memory_space<vmem>>, %arg15: memref<3200xf32, #tpu.memory_space<vmem>>, %arg16: memref<32x128xf32, #tpu.memory_space<vmem>>, %arg17: memref<4096xf32, #tpu.memory_space<vmem>>, %arg18: memref<4096xf32, #tpu.memory_space<vmem>>, %arg19: memref<32x128xf32, #tpu.memory_space<vmem>>, %arg20: memref<32x128xf32, #tpu.memory_space<vmem>>, %arg21: memref<1000000xf32, #tpu.memory_space<vmem_shared>>, %arg22: memref<!tpu.dma_semaphore, #tpu.memory_space<semaphore_mem>>, %arg23: memref<!tpu.dma_semaphore, #tpu.memory_space<semaphore_mem>>, %arg24: memref<!tpu.dma_semaphore, #tpu.memory_space<semaphore_mem>>, %arg25: memref<!tpu.dma_semaphore, #tpu.memory_space<semaphore_mem>>) attributes {dimension_semantics = [#tpu.dimension_semantics<core_parallel>, #tpu.dimension_semantics<subcore_parallel>], iteration_bounds = array<i64: 2, 16>, scalar_prefetch = 0 : i64, scratch_operands = 17 : i64, tpu.core_type = #tpu.core_type<sc_vector_subcore>, window_params = [{transform_indices = #map}, {transform_indices = #map}, {transform_indices = #map}, {transform_indices = #map1}, {transform_indices = #map1}, {transform_indices = #map2}, {transform_indices = #map2}]} {
    "tpu.region"() ({
      %run_scoped3A = tpu.sem_alloc : memref<!tpu.dma_semaphore, #tpu.memory_space<semaphore_mem>>
      tpu.enqueue_dma source(%arg5 : memref<256xf32, #tpu.memory_space<hbm>>) target(%arg14 : memref<256xf32, #tpu.memory_space<vmem>>) target_semaphore(%run_scoped3A : memref<!tpu.dma_semaphore, #tpu.memory_space<semaphore_mem>>)
      tpu.wait_dma2 semaphore(%run_scoped3A : memref<!tpu.dma_semaphore, #tpu.memory_space<semaphore_mem>>) src(%arg5 : memref<256xf32, #tpu.memory_space<hbm>>) dst(%arg14 : memref<256xf32, #tpu.memory_space<vmem>>)
      tpu.yield
    }) : () -> ()
    "tpu.region"() ({
      %run_scoped3A = tpu.sem_alloc : memref<!tpu.dma_semaphore, #tpu.memory_space<semaphore_mem>>
      tpu.enqueue_dma source(%arg6 : memref<3200xf32, #tpu.memory_space<hbm>>) target(%arg15 : memref<3200xf32, #tpu.memory_space<vmem>>) target_semaphore(%run_scoped3A : memref<!tpu.dma_semaphore, #tpu.memory_space<semaphore_mem>>)
      tpu.wait_dma2 semaphore(%run_scoped3A : memref<!tpu.dma_semaphore, #tpu.memory_space<semaphore_mem>>) src(%arg6 : memref<3200xf32, #tpu.memory_space<hbm>>) dst(%arg15 : memref<3200xf32, #tpu.memory_space<vmem>>)
      tpu.yield
    }) : () -> ()
    "tpu.region"() ({
      %run_scoped3A = tpu.sem_alloc : memref<!tpu.dma_semaphore, #tpu.memory_space<semaphore_mem>>
      tpu.enqueue_dma source(%arg3 : memref<32x128xi32, #tpu.memory_space<hbm>>) target(%arg13 : memref<32x128xi32, #tpu.memory_space<vmem>>) target_semaphore(%run_scoped3A : memref<!tpu.dma_semaphore, #tpu.memory_space<semaphore_mem>>)
      tpu.wait_dma2 semaphore(%run_scoped3A : memref<!tpu.dma_semaphore, #tpu.memory_space<semaphore_mem>>) src(%arg3 : memref<32x128xi32, #tpu.memory_space<hbm>>) dst(%arg13 : memref<32x128xi32, #tpu.memory_space<vmem>>)
      tpu.yield
    }) : () -> ()
    %add3A = arith.constant 0 : i32
    %add3A_0 = arith.addi %arg1, %add3A : i32
    "tpu.region"() ({
      %run_scoped3A = tpu.sem_alloc : memref<!tpu.dma_semaphore, #tpu.memory_space<semaphore_mem>>
      %dma_start3A = arith.constant 0 : i32
      %dma_start3A_34 = tpu.memref_slice %arg2[%add3A_0, %dma_start3A] : memref<50x4096xi32, #tpu.memory_space<hbm>> -> memref<1x4096xi32, #tpu.memory_space<hbm>>
      %dma_start3A_35 = tpu.memref_squeeze %dma_start3A_34 : memref<1x4096xi32, #tpu.memory_space<hbm>> -> memref<4096xi32, #tpu.memory_space<hbm>>
      %dma_start3A_36 = arith.constant 0 : i32
      %dma_start3A_37 = tpu.memref_slice %arg2[%add3A_0, %dma_start3A_36] : memref<50x4096xi32, #tpu.memory_space<hbm>> -> memref<1x4096xi32, #tpu.memory_space<hbm>>
      %dma_start3A_38 = tpu.memref_squeeze %dma_start3A_37 : memref<1x4096xi32, #tpu.memory_space<hbm>> -> memref<4096xi32, #tpu.memory_space<hbm>>
      tpu.enqueue_dma source(%dma_start3A_38 : memref<4096xi32, #tpu.memory_space<hbm>>) target(%arg9 : memref<4096xi32, #tpu.memory_space<vmem>>) target_semaphore(%run_scoped3A : memref<!tpu.dma_semaphore, #tpu.memory_space<semaphore_mem>>)
      %dma_wait3A_39 = arith.constant 0 : i32
      %dma_wait3A_40 = tpu.memref_slice %arg2[%add3A_0, %dma_wait3A_39] : memref<50x4096xi32, #tpu.memory_space<hbm>> -> memref<1x4096xi32, #tpu.memory_space<hbm>>
      %dma_wait3A_41 = tpu.memref_squeeze %dma_wait3A_40 : memref<1x4096xi32, #tpu.memory_space<hbm>> -> memref<4096xi32, #tpu.memory_space<hbm>>
      %dma_wait3A_42 = arith.constant 0 : i32
      %dma_wait3A_43 = tpu.memref_slice %arg2[%add3A_0, %dma_wait3A_42] : memref<50x4096xi32, #tpu.memory_space<hbm>> -> memref<1x4096xi32, #tpu.memory_space<hbm>>
      %dma_wait3A_44 = tpu.memref_squeeze %dma_wait3A_43 : memref<1x4096xi32, #tpu.memory_space<hbm>> -> memref<4096xi32, #tpu.memory_space<hbm>>
      tpu.wait_dma2 semaphore(%run_scoped3A : memref<!tpu.dma_semaphore, #tpu.memory_space<semaphore_mem>>) src(%dma_wait3A_44 : memref<4096xi32, #tpu.memory_space<hbm>>) dst(%arg9 : memref<4096xi32, #tpu.memory_space<vmem>>)
      tpu.yield
    }) : () -> ()
    %add3A_1 = arith.constant 16 : i32
    %add3A_2 = arith.addi %arg1, %add3A_1 : i32
    "tpu.region"() ({
      %run_scoped3A = tpu.sem_alloc : memref<!tpu.dma_semaphore, #tpu.memory_space<semaphore_mem>>
      %dma_start3A = arith.constant 0 : i32
      %dma_start3A_34 = tpu.memref_slice %arg2[%add3A_2, %dma_start3A] : memref<50x4096xi32, #tpu.memory_space<hbm>> -> memref<1x4096xi32, #tpu.memory_space<hbm>>
      %dma_start3A_35 = tpu.memref_squeeze %dma_start3A_34 : memref<1x4096xi32, #tpu.memory_space<hbm>> -> memref<4096xi32, #tpu.memory_space<hbm>>
      %dma_start3A_36 = arith.constant 0 : i32
      %dma_start3A_37 = tpu.memref_slice %arg2[%add3A_2, %dma_start3A_36] : memref<50x4096xi32, #tpu.memory_space<hbm>> -> memref<1x4096xi32, #tpu.memory_space<hbm>>
      %dma_start3A_38 = tpu.memref_squeeze %dma_start3A_37 : memref<1x4096xi32, #tpu.memory_space<hbm>> -> memref<4096xi32, #tpu.memory_space<hbm>>
      tpu.enqueue_dma source(%dma_start3A_38 : memref<4096xi32, #tpu.memory_space<hbm>>) target(%arg10 : memref<4096xi32, #tpu.memory_space<vmem>>) target_semaphore(%run_scoped3A : memref<!tpu.dma_semaphore, #tpu.memory_space<semaphore_mem>>)
      %dma_wait3A_39 = arith.constant 0 : i32
      %dma_wait3A_40 = tpu.memref_slice %arg2[%add3A_2, %dma_wait3A_39] : memref<50x4096xi32, #tpu.memory_space<hbm>> -> memref<1x4096xi32, #tpu.memory_space<hbm>>
      %dma_wait3A_41 = tpu.memref_squeeze %dma_wait3A_40 : memref<1x4096xi32, #tpu.memory_space<hbm>> -> memref<4096xi32, #tpu.memory_space<hbm>>
      %dma_wait3A_42 = arith.constant 0 : i32
      %dma_wait3A_43 = tpu.memref_slice %arg2[%add3A_2, %dma_wait3A_42] : memref<50x4096xi32, #tpu.memory_space<hbm>> -> memref<1x4096xi32, #tpu.memory_space<hbm>>
      %dma_wait3A_44 = tpu.memref_squeeze %dma_wait3A_43 : memref<1x4096xi32, #tpu.memory_space<hbm>> -> memref<4096xi32, #tpu.memory_space<hbm>>
      tpu.wait_dma2 semaphore(%run_scoped3A : memref<!tpu.dma_semaphore, #tpu.memory_space<semaphore_mem>>) src(%dma_wait3A_44 : memref<4096xi32, #tpu.memory_space<hbm>>) dst(%arg10 : memref<4096xi32, #tpu.memory_space<vmem>>)
      tpu.yield
    }) : () -> ()
    %add3A_3 = arith.constant 32 : i32
    %add3A_4 = arith.addi %arg1, %add3A_3 : i32
    "tpu.region"() ({
      %run_scoped3A = tpu.sem_alloc : memref<!tpu.dma_semaphore, #tpu.memory_space<semaphore_mem>>
      %dma_start3A = arith.constant 0 : i32
      %dma_start3A_34 = tpu.memref_slice %arg2[%add3A_4, %dma_start3A] : memref<50x4096xi32, #tpu.memory_space<hbm>> -> memref<1x4096xi32, #tpu.memory_space<hbm>>
      %dma_start3A_35 = tpu.memref_squeeze %dma_start3A_34 : memref<1x4096xi32, #tpu.memory_space<hbm>> -> memref<4096xi32, #tpu.memory_space<hbm>>
      %dma_start3A_36 = arith.constant 0 : i32
      %dma_start3A_37 = tpu.memref_slice %arg2[%add3A_4, %dma_start3A_36] : memref<50x4096xi32, #tpu.memory_space<hbm>> -> memref<1x4096xi32, #tpu.memory_space<hbm>>
      %dma_start3A_38 = tpu.memref_squeeze %dma_start3A_37 : memref<1x4096xi32, #tpu.memory_space<hbm>> -> memref<4096xi32, #tpu.memory_space<hbm>>
      tpu.enqueue_dma source(%dma_start3A_38 : memref<4096xi32, #tpu.memory_space<hbm>>) target(%arg11 : memref<4096xi32, #tpu.memory_space<vmem>>) target_semaphore(%run_scoped3A : memref<!tpu.dma_semaphore, #tpu.memory_space<semaphore_mem>>)
      %dma_wait3A_39 = arith.constant 0 : i32
      %dma_wait3A_40 = tpu.memref_slice %arg2[%add3A_4, %dma_wait3A_39] : memref<50x4096xi32, #tpu.memory_space<hbm>> -> memref<1x4096xi32, #tpu.memory_space<hbm>>
      %dma_wait3A_41 = tpu.memref_squeeze %dma_wait3A_40 : memref<1x4096xi32, #tpu.memory_space<hbm>> -> memref<4096xi32, #tpu.memory_space<hbm>>
      %dma_wait3A_42 = arith.constant 0 : i32
      %dma_wait3A_43 = tpu.memref_slice %arg2[%add3A_4, %dma_wait3A_42] : memref<50x4096xi32, #tpu.memory_space<hbm>> -> memref<1x4096xi32, #tpu.memory_space<hbm>>
      %dma_wait3A_44 = tpu.memref_squeeze %dma_wait3A_43 : memref<1x4096xi32, #tpu.memory_space<hbm>> -> memref<4096xi32, #tpu.memory_space<hbm>>
      tpu.wait_dma2 semaphore(%run_scoped3A : memref<!tpu.dma_semaphore, #tpu.memory_space<semaphore_mem>>) src(%dma_wait3A_44 : memref<4096xi32, #tpu.memory_space<hbm>>) dst(%arg11 : memref<4096xi32, #tpu.memory_space<vmem>>)
      tpu.yield
    }) : () -> ()
    %add3A_5 = arith.constant 48 : i32
    %add3A_6 = arith.addi %arg1, %add3A_5 : i32
    %lt3A = arith.constant 50 : i32
    %lt3A_7 = arith.cmpi slt, %add3A_6, %lt3A : i32
    %convert_element_type3A = arith.extui %lt3A_7 : i1 to i32
    %cond3A = arith.constant 0 : i32
    %cond3A_8 = arith.cmpi ne, %convert_element_type3A, %cond3A : i32
    scf.if %cond3A_8 {
      %add3A_34 = arith.constant 48 : i32
      %add3A_35 = arith.addi %arg1, %add3A_34 : i32
      "tpu.region"() ({
        %run_scoped3A = tpu.sem_alloc : memref<!tpu.dma_semaphore, #tpu.memory_space<semaphore_mem>>
        %dma_start3A = arith.constant 0 : i32
        %dma_start3A_36 = tpu.memref_slice %arg2[%add3A_35, %dma_start3A] : memref<50x4096xi32, #tpu.memory_space<hbm>> -> memref<1x4096xi32, #tpu.memory_space<hbm>>
        %dma_start3A_37 = tpu.memref_squeeze %dma_start3A_36 : memref<1x4096xi32, #tpu.memory_space<hbm>> -> memref<4096xi32, #tpu.memory_space<hbm>>
        %dma_start3A_38 = arith.constant 0 : i32
        %dma_start3A_39 = tpu.memref_slice %arg2[%add3A_35, %dma_start3A_38] : memref<50x4096xi32, #tpu.memory_space<hbm>> -> memref<1x4096xi32, #tpu.memory_space<hbm>>
        %dma_start3A_40 = tpu.memref_squeeze %dma_start3A_39 : memref<1x4096xi32, #tpu.memory_space<hbm>> -> memref<4096xi32, #tpu.memory_space<hbm>>
        tpu.enqueue_dma source(%dma_start3A_40 : memref<4096xi32, #tpu.memory_space<hbm>>) target(%arg12 : memref<4096xi32, #tpu.memory_space<vmem>>) target_semaphore(%run_scoped3A : memref<!tpu.dma_semaphore, #tpu.memory_space<semaphore_mem>>)
        %dma_wait3A_41 = arith.constant 0 : i32
        %dma_wait3A_42 = tpu.memref_slice %arg2[%add3A_35, %dma_wait3A_41] : memref<50x4096xi32, #tpu.memory_space<hbm>> -> memref<1x4096xi32, #tpu.memory_space<hbm>>
        %dma_wait3A_43 = tpu.memref_squeeze %dma_wait3A_42 : memref<1x4096xi32, #tpu.memory_space<hbm>> -> memref<4096xi32, #tpu.memory_space<hbm>>
        %dma_wait3A_44 = arith.constant 0 : i32
        %dma_wait3A_45 = tpu.memref_slice %arg2[%add3A_35, %dma_wait3A_44] : memref<50x4096xi32, #tpu.memory_space<hbm>> -> memref<1x4096xi32, #tpu.memory_space<hbm>>
        %dma_wait3A_46 = tpu.memref_squeeze %dma_wait3A_45 : memref<1x4096xi32, #tpu.memory_space<hbm>> -> memref<4096xi32, #tpu.memory_space<hbm>>
        tpu.wait_dma2 semaphore(%run_scoped3A : memref<!tpu.dma_semaphore, #tpu.memory_space<semaphore_mem>>) src(%dma_wait3A_46 : memref<4096xi32, #tpu.memory_space<hbm>>) dst(%arg12 : memref<4096xi32, #tpu.memory_space<vmem>>)
        tpu.yield
      }) : () -> ()
    } else {
    }
    %scan3A = arith.constant 0 : i32
    %scan3A_9 = arith.constant 32 : i32
    %scan3A_10 = arith.addi %scan3A, %scan3A_9 : i32
    %scan3A_11 = arith.constant 1 : i32
    scf.for %scan3A_34 = %scan3A to %scan3A_10 step %scan3A_11  : i32 {
      %mul3A = arith.constant 1 : i32
      %mul3A_35 = arith.muli %scan3A_34, %mul3A : i32
      %add3A_36 = arith.constant 0 : i32
      %add3A_37 = arith.addi %add3A_36, %mul3A_35 : i32
      %mul3A_38 = arith.constant 32 : i32
      %mul3A_39 = arith.muli %arg0, %mul3A_38 : i32
      %add3A_40 = arith.addi %mul3A_39, %add3A_37 : i32
      %eq3A = arith.constant 0 : i32
      %eq3A_41 = arith.cmpi eq, %arg1, %eq3A : i32
      %convert_element_type3A_42 = arith.extui %eq3A_41 : i1 to i32
      %cond3A_43 = arith.constant 0 : i32
      %cond3A_44 = arith.cmpi ne, %convert_element_type3A_42, %cond3A_43 : i32
      scf.if %cond3A_44 {
        "tpu.region"() ({
          %run_scoped3A = tpu.sem_alloc : memref<!tpu.dma_semaphore, #tpu.memory_space<semaphore_mem>>
          %dma_start3A_181 = arith.constant 0 : i32
          %dma_start3A_182 = tpu.memref_slice %arg4[%add3A_40, %dma_start3A_181] : memref<64x1000000xf32, #tpu.memory_space<hbm>> -> memref<1x1000000xf32, #tpu.memory_space<hbm>>
          %dma_start3A_183 = tpu.memref_squeeze %dma_start3A_182 : memref<1x1000000xf32, #tpu.memory_space<hbm>> -> memref<1000000xf32, #tpu.memory_space<hbm>>
          tpu.enqueue_dma source(%dma_start3A_183 : memref<1000000xf32, #tpu.memory_space<hbm>>) target(%arg21 : memref<1000000xf32, #tpu.memory_space<vmem_shared>>) target_semaphore(%run_scoped3A : memref<!tpu.dma_semaphore, #tpu.memory_space<semaphore_mem>>)
          %dma_wait3A_184 = arith.constant 0 : i32
          %dma_wait3A_185 = tpu.memref_slice %arg4[%add3A_40, %dma_wait3A_184] : memref<64x1000000xf32, #tpu.memory_space<hbm>> -> memref<1x1000000xf32, #tpu.memory_space<hbm>>
          %dma_wait3A_186 = tpu.memref_squeeze %dma_wait3A_185 : memref<1x1000000xf32, #tpu.memory_space<hbm>> -> memref<1000000xf32, #tpu.memory_space<hbm>>
          tpu.wait_dma2 semaphore(%run_scoped3A : memref<!tpu.dma_semaphore, #tpu.memory_space<semaphore_mem>>) src(%dma_wait3A_186 : memref<1000000xf32, #tpu.memory_space<hbm>>) dst(%arg21 : memref<1000000xf32, #tpu.memory_space<vmem_shared>>)
          tpu.yield
        }) : () -> ()
      } else {
      }
      %barrier3A = arith.constant 0 : index
      tpu.barrier barrier_id(%barrier3A)
      %dma_start3A = arith.constant 0 : i32
      %dma_start3A_45 = tpu.memref_slice %arg21[%dma_start3A] : memref<1000000xf32, #tpu.memory_space<vmem_shared>> -> memref<1000000xf32, #tpu.memory_space<vmem_shared>>
      tpu.enqueue_indirect_dma source(%dma_start3A_45 : memref<1000000xf32, #tpu.memory_space<vmem_shared>>) target(%arg17 : memref<4096xf32, #tpu.memory_space<vmem>>) offsets(%arg9 : memref<4096xi32, #tpu.memory_space<vmem>>) semaphore(%arg22 : memref<!tpu.dma_semaphore, #tpu.memory_space<semaphore_mem>>)
      %mul3A_46 = arith.constant 4 : i32
      %mul3A_47 = arith.muli %add3A_40, %mul3A_46 : i32
      %scan3A_48 = arith.constant 0 : i32
      %scan3A_49 = arith.constant 32 : i32
      %scan3A_50 = arith.addi %scan3A_48, %scan3A_49 : i32
      %scan3A_51 = arith.constant 1 : i32
      scf.for %scan3A_181 = %scan3A_48 to %scan3A_50 step %scan3A_51  : i32 {
        %mul3A_182 = arith.constant 1 : i32
        %mul3A_183 = arith.muli %scan3A_181, %mul3A_182 : i32
        %add3A_184 = arith.constant 0 : i32
        %add3A_185 = arith.addi %add3A_184, %mul3A_183 : i32
        %broadcast_in_dim3A_186 = vector.broadcast %mul3A_47 : i32 to vector<16xi32>
        %get3A = arith.index_cast %add3A_185 : i32 to index
        %get3A_187 = arith.constant 0 : index
        %get3A_188 = tpu.vector_load %arg13[%get3A, %get3A_187] {strides = array<i32>} : memref<32x128xi32, #tpu.memory_space<vmem>>, vector<16xi32>,
        %add3A_189 = arith.addi %broadcast_in_dim3A_186, %get3A_188 : vector<16xi32>
        %gather3A_190 = tpu.vector_load_idx %arg14[%add3A_189] : memref<256xf32, #tpu.memory_space<vmem>>[vector<16xi32>], vector<16xf32>,
        %swap3A = arith.index_cast %add3A_185 : i32 to index
        %swap3A_191 = arith.constant 0 : index
        %swap3A_192 = tpu.vector_load %arg16[%swap3A, %swap3A_191] {strides = array<i32>} : memref<32x128xf32, #tpu.memory_space<vmem>>, vector<16xf32>,
        tpu.vector_store %arg16[%swap3A, %swap3A_191], %gather3A_190 {strides = array<i32>} : memref<32x128xf32, #tpu.memory_space<vmem>>, vector<16xf32>,
        %broadcast_in_dim3A_193 = vector.broadcast %mul3A_47 : i32 to vector<16xi32>
        %get3A_194 = arith.index_cast %add3A_185 : i32 to index
        %get3A_195 = arith.constant 16 : index
        %get3A_196 = tpu.vector_load %arg13[%get3A_194, %get3A_195] {strides = array<i32>} : memref<32x128xi32, #tpu.memory_space<vmem>>, vector<16xi32>,
        %add3A_197 = arith.addi %broadcast_in_dim3A_193, %get3A_196 : vector<16xi32>
        %gather3A_198 = tpu.vector_load_idx %arg14[%add3A_197] : memref<256xf32, #tpu.memory_space<vmem>>[vector<16xi32>], vector<16xf32>,
        %swap3A_199 = arith.index_cast %add3A_185 : i32 to index
        %swap3A_200 = arith.constant 16 : index
        %swap3A_201 = tpu.vector_load %arg16[%swap3A_199, %swap3A_200] {strides = array<i32>} : memref<32x128xf32, #tpu.memory_space<vmem>>, vector<16xf32>,
        tpu.vector_store %arg16[%swap3A_199, %swap3A_200], %gather3A_198 {strides = array<i32>} : memref<32x128xf32, #tpu.memory_space<vmem>>, vector<16xf32>,
        %broadcast_in_dim3A_202 = vector.broadcast %mul3A_47 : i32 to vector<16xi32>
        %get3A_203 = arith.index_cast %add3A_185 : i32 to index
        %get3A_204 = arith.constant 32 : index
        %get3A_205 = tpu.vector_load %arg13[%get3A_203, %get3A_204] {strides = array<i32>} : memref<32x128xi32, #tpu.memory_space<vmem>>, vector<16xi32>,
        %add3A_206 = arith.addi %broadcast_in_dim3A_202, %get3A_205 : vector<16xi32>
        %gather3A_207 = tpu.vector_load_idx %arg14[%add3A_206] : memref<256xf32, #tpu.memory_space<vmem>>[vector<16xi32>], vector<16xf32>,
        %swap3A_208 = arith.index_cast %add3A_185 : i32 to index
        %swap3A_209 = arith.constant 32 : index
        %swap3A_210 = tpu.vector_load %arg16[%swap3A_208, %swap3A_209] {strides = array<i32>} : memref<32x128xf32, #tpu.memory_space<vmem>>, vector<16xf32>,
        tpu.vector_store %arg16[%swap3A_208, %swap3A_209], %gather3A_207 {strides = array<i32>} : memref<32x128xf32, #tpu.memory_space<vmem>>, vector<16xf32>,
        %broadcast_in_dim3A_211 = vector.broadcast %mul3A_47 : i32 to vector<16xi32>
        %get3A_212 = arith.index_cast %add3A_185 : i32 to index
        %get3A_213 = arith.constant 48 : index
        %get3A_214 = tpu.vector_load %arg13[%get3A_212, %get3A_213] {strides = array<i32>} : memref<32x128xi32, #tpu.memory_space<vmem>>, vector<16xi32>,
        %add3A_215 = arith.addi %broadcast_in_dim3A_211, %get3A_214 : vector<16xi32>
        %gather3A_216 = tpu.vector_load_idx %arg14[%add3A_215] : memref<256xf32, #tpu.memory_space<vmem>>[vector<16xi32>], vector<16xf32>,
        %swap3A_217 = arith.index_cast %add3A_185 : i32 to index
        %swap3A_218 = arith.constant 48 : index
        %swap3A_219 = tpu.vector_load %arg16[%swap3A_217, %swap3A_218] {strides = array<i32>} : memref<32x128xf32, #tpu.memory_space<vmem>>, vector<16xf32>,
        tpu.vector_store %arg16[%swap3A_217, %swap3A_218], %gather3A_216 {strides = array<i32>} : memref<32x128xf32, #tpu.memory_space<vmem>>, vector<16xf32>,
        %broadcast_in_dim3A_220 = vector.broadcast %mul3A_47 : i32 to vector<16xi32>
        %get3A_221 = arith.index_cast %add3A_185 : i32 to index
        %get3A_222 = arith.constant 64 : index
        %get3A_223 = tpu.vector_load %arg13[%get3A_221, %get3A_222] {strides = array<i32>} : memref<32x128xi32, #tpu.memory_space<vmem>>, vector<16xi32>,
        %add3A_224 = arith.addi %broadcast_in_dim3A_220, %get3A_223 : vector<16xi32>
        %gather3A_225 = tpu.vector_load_idx %arg14[%add3A_224] : memref<256xf32, #tpu.memory_space<vmem>>[vector<16xi32>], vector<16xf32>,
        %swap3A_226 = arith.index_cast %add3A_185 : i32 to index
        %swap3A_227 = arith.constant 64 : index
        %swap3A_228 = tpu.vector_load %arg16[%swap3A_226, %swap3A_227] {strides = array<i32>} : memref<32x128xf32, #tpu.memory_space<vmem>>, vector<16xf32>,
        tpu.vector_store %arg16[%swap3A_226, %swap3A_227], %gather3A_225 {strides = array<i32>} : memref<32x128xf32, #tpu.memory_space<vmem>>, vector<16xf32>,
        %broadcast_in_dim3A_229 = vector.broadcast %mul3A_47 : i32 to vector<16xi32>
        %get3A_230 = arith.index_cast %add3A_185 : i32 to index
        %get3A_231 = arith.constant 80 : index
        %get3A_232 = tpu.vector_load %arg13[%get3A_230, %get3A_231] {strides = array<i32>} : memref<32x128xi32, #tpu.memory_space<vmem>>, vector<16xi32>,
        %add3A_233 = arith.addi %broadcast_in_dim3A_229, %get3A_232 : vector<16xi32>
        %gather3A_234 = tpu.vector_load_idx %arg14[%add3A_233] : memref<256xf32, #tpu.memory_space<vmem>>[vector<16xi32>], vector<16xf32>,
        %swap3A_235 = arith.index_cast %add3A_185 : i32 to index
        %swap3A_236 = arith.constant 80 : index
        %swap3A_237 = tpu.vector_load %arg16[%swap3A_235, %swap3A_236] {strides = array<i32>} : memref<32x128xf32, #tpu.memory_space<vmem>>, vector<16xf32>,
        tpu.vector_store %arg16[%swap3A_235, %swap3A_236], %gather3A_234 {strides = array<i32>} : memref<32x128xf32, #tpu.memory_space<vmem>>, vector<16xf32>,
        %broadcast_in_dim3A_238 = vector.broadcast %mul3A_47 : i32 to vector<16xi32>
        %get3A_239 = arith.index_cast %add3A_185 : i32 to index
        %get3A_240 = arith.constant 96 : index
        %get3A_241 = tpu.vector_load %arg13[%get3A_239, %get3A_240] {strides = array<i32>} : memref<32x128xi32, #tpu.memory_space<vmem>>, vector<16xi32>,
        %add3A_242 = arith.addi %broadcast_in_dim3A_238, %get3A_241 : vector<16xi32>
        %gather3A_243 = tpu.vector_load_idx %arg14[%add3A_242] : memref<256xf32, #tpu.memory_space<vmem>>[vector<16xi32>], vector<16xf32>,
        %swap3A_244 = arith.index_cast %add3A_185 : i32 to index
        %swap3A_245 = arith.constant 96 : index
        %swap3A_246 = tpu.vector_load %arg16[%swap3A_244, %swap3A_245] {strides = array<i32>} : memref<32x128xf32, #tpu.memory_space<vmem>>, vector<16xf32>,
        tpu.vector_store %arg16[%swap3A_244, %swap3A_245], %gather3A_243 {strides = array<i32>} : memref<32x128xf32, #tpu.memory_space<vmem>>, vector<16xf32>,
        %broadcast_in_dim3A_247 = vector.broadcast %mul3A_47 : i32 to vector<16xi32>
        %get3A_248 = arith.index_cast %add3A_185 : i32 to index
        %get3A_249 = arith.constant 112 : index
        %get3A_250 = tpu.vector_load %arg13[%get3A_248, %get3A_249] {strides = array<i32>} : memref<32x128xi32, #tpu.memory_space<vmem>>, vector<16xi32>,
        %add3A_251 = arith.addi %broadcast_in_dim3A_247, %get3A_250 : vector<16xi32>
        %gather3A_252 = tpu.vector_load_idx %arg14[%add3A_251] : memref<256xf32, #tpu.memory_space<vmem>>[vector<16xi32>], vector<16xf32>,
        %swap3A_253 = arith.index_cast %add3A_185 : i32 to index
        %swap3A_254 = arith.constant 112 : index
        %swap3A_255 = tpu.vector_load %arg16[%swap3A_253, %swap3A_254] {strides = array<i32>} : memref<32x128xf32, #tpu.memory_space<vmem>>, vector<16xf32>,
        tpu.vector_store %arg16[%swap3A_253, %swap3A_254], %gather3A_252 {strides = array<i32>} : memref<32x128xf32, #tpu.memory_space<vmem>>, vector<16xf32>,
      }
      %scan3A_52 = arith.constant 32 : i32
      %div3A = arith.constant 8 : i32
      %div3A_53 = arith.divsi %add3A_40, %div3A : i32
      %rem3A = arith.constant 8 : i32
      %rem3A_54 = arith.remsi %add3A_40, %rem3A : i32
      %add3A_55 = arith.constant 0 : i32
      %add3A_56 = arith.addi %arg1, %add3A_55 : i32
      %dma_wait3A_57 = arith.constant 0 : i32
      %dma_wait3A_58 = tpu.memref_slice %arg21[%dma_wait3A_57] : memref<1000000xf32, #tpu.memory_space<vmem_shared>> -> memref<1000000xf32, #tpu.memory_space<vmem_shared>>
      tpu.wait_indirect_dma semaphore(%arg22 : memref<!tpu.dma_semaphore, #tpu.memory_space<semaphore_mem>>) src(%dma_wait3A_58 : memref<1000000xf32, #tpu.memory_space<vmem_shared>>) dst(%arg17 : memref<4096xf32, #tpu.memory_space<vmem>>)
      %dma_start3A_59 = arith.constant 0 : i32
      %dma_start3A_60 = tpu.memref_slice %arg21[%dma_start3A_59] : memref<1000000xf32, #tpu.memory_space<vmem_shared>> -> memref<1000000xf32, #tpu.memory_space<vmem_shared>>
      tpu.enqueue_indirect_dma source(%dma_start3A_60 : memref<1000000xf32, #tpu.memory_space<vmem_shared>>) target(%arg18 : memref<4096xf32, #tpu.memory_space<vmem>>) offsets(%arg10 : memref<4096xi32, #tpu.memory_space<vmem>>) semaphore(%arg23 : memref<!tpu.dma_semaphore, #tpu.memory_space<semaphore_mem>>)
      %gt3A = arith.constant 0 : i32
      %gt3A_61 = arith.cmpi sgt, %add3A_37, %gt3A : i32
      %or3A = arith.constant false
      %or3A_62 = arith.ori %gt3A_61, %or3A : i1
      %convert_element_type3A_63 = arith.extui %or3A_62 : i1 to i32
      %cond3A_64 = arith.constant 0 : i32
      %cond3A_65 = arith.cmpi ne, %convert_element_type3A_63, %cond3A_64 : i32
      scf.if %cond3A_65 {
        %dma_wait3A_181 = arith.constant 0 : i32
        %dma_wait3A_182 = arith.constant 0 : i32
        %dma_wait3A_183 = arith.constant 0 : i32
        %dma_wait3A_184 = arith.constant 0 : i32
        %dma_wait3A_185 = arith.constant 0 : i32
        %dma_wait3A_186 = tpu.memref_slice %arg8[%dma_wait3A_181, %dma_wait3A_182, %dma_wait3A_184, %dma_wait3A_183, %dma_wait3A_185] : memref<50x8x32x8x128xf32, #tpu.memory_space<hbm>> -> memref<1x1x32x1x128xf32, #tpu.memory_space<hbm>>
        %dma_wait3A_187 = tpu.memref_squeeze %dma_wait3A_186 : memref<1x1x32x1x128xf32, #tpu.memory_space<hbm>> -> memref<32x128xf32, #tpu.memory_space<hbm>>
        %dma_wait3A_188 = arith.constant 0 : i32
        %dma_wait3A_189 = arith.constant 0 : i32
        %dma_wait3A_190 = tpu.memref_slice %arg8[%dma_wait3A_181, %dma_wait3A_182, %dma_wait3A_188, %dma_wait3A_183, %dma_wait3A_189] : memref<50x8x32x8x128xf32, #tpu.memory_space<hbm>> -> memref<1x1x32x1x128xf32, #tpu.memory_space<hbm>>
        %dma_wait3A_191 = tpu.memref_squeeze %dma_wait3A_190 : memref<1x1x32x1x128xf32, #tpu.memory_space<hbm>> -> memref<32x128xf32, #tpu.memory_space<hbm>>
        tpu.wait_dma2 semaphore(%arg24 : memref<!tpu.dma_semaphore, #tpu.memory_space<semaphore_mem>>) src(%arg19 : memref<32x128xf32, #tpu.memory_space<vmem>>) dst(%dma_wait3A_191 : memref<32x128xf32, #tpu.memory_space<hbm>>)
        %dma_wait3A_192 = arith.constant 0 : i32
        %dma_wait3A_193 = arith.constant 0 : i32
        %dma_wait3A_194 = arith.constant 0 : i32
        %dma_wait3A_195 = arith.constant 0 : i32
        %dma_wait3A_196 = arith.constant 0 : i32
        %dma_wait3A_197 = tpu.memref_slice %arg7[%dma_wait3A_192, %dma_wait3A_193, %dma_wait3A_195, %dma_wait3A_194, %dma_wait3A_196] : memref<50x8x32x8x128xf32, #tpu.memory_space<hbm>> -> memref<1x1x32x1x128xf32, #tpu.memory_space<hbm>>
        %dma_wait3A_198 = tpu.memref_squeeze %dma_wait3A_197 : memref<1x1x32x1x128xf32, #tpu.memory_space<hbm>> -> memref<32x128xf32, #tpu.memory_space<hbm>>
        %dma_wait3A_199 = arith.constant 0 : i32
        %dma_wait3A_200 = arith.constant 0 : i32
        %dma_wait3A_201 = tpu.memref_slice %arg7[%dma_wait3A_192, %dma_wait3A_193, %dma_wait3A_199, %dma_wait3A_194, %dma_wait3A_200] : memref<50x8x32x8x128xf32, #tpu.memory_space<hbm>> -> memref<1x1x32x1x128xf32, #tpu.memory_space<hbm>>
        %dma_wait3A_202 = tpu.memref_squeeze %dma_wait3A_201 : memref<1x1x32x1x128xf32, #tpu.memory_space<hbm>> -> memref<32x128xf32, #tpu.memory_space<hbm>>
        tpu.wait_dma2 semaphore(%arg25 : memref<!tpu.dma_semaphore, #tpu.memory_space<semaphore_mem>>) src(%arg20 : memref<32x128xf32, #tpu.memory_space<vmem>>) dst(%dma_wait3A_202 : memref<32x128xf32, #tpu.memory_space<hbm>>)
      } else {
      }
      %mul3A_66 = arith.constant 50 : i32
      %mul3A_67 = arith.muli %add3A_40, %mul3A_66 : i32
      %add3A_68 = arith.addi %mul3A_67, %add3A_56 : i32
      %broadcast_in_dim3A = vector.broadcast %add3A_68 : i32 to vector<16xi32>
      %gather3A = tpu.vector_load_idx %arg15[%broadcast_in_dim3A] : memref<3200xf32, #tpu.memory_space<vmem>>[vector<16xi32>], vector<16xf32>,
      %scan3A_69 = arith.constant 0 : i32
      %scan3A_70 = arith.constant 32 : i32
      %scan3A_71 = arith.addi %scan3A_69, %scan3A_70 : i32
      %scan3A_72 = arith.constant 1 : i32
      scf.for %scan3A_181 = %scan3A_69 to %scan3A_71 step %scan3A_72  : i32 {
        %mul3A_182 = arith.constant 1 : i32
        %mul3A_183 = arith.muli %scan3A_181, %mul3A_182 : i32
        %add3A_184 = arith.constant 0 : i32
        %add3A_185 = arith.addi %add3A_184, %mul3A_183 : i32
        %mul3A_186 = arith.constant 128 : i32
        %mul3A_187 = arith.muli %add3A_185, %mul3A_186 : i32
        %add3A_188 = arith.constant 0 : i32
        %add3A_189 = arith.addi %mul3A_187, %add3A_188 : i32
        %get3A = arith.index_cast %add3A_189 : i32 to index
        %get3A_190 = tpu.vector_load %arg17[%get3A] {strides = array<i32>} : memref<4096xf32, #tpu.memory_space<vmem>>, vector<16xf32>,
        %swap3A = arith.index_cast %add3A_185 : i32 to index
        %swap3A_191 = arith.constant 0 : index
        %swap3A_192 = tpu.vector_load %arg19[%swap3A, %swap3A_191] {strides = array<i32>} : memref<32x128xf32, #tpu.memory_space<vmem>>, vector<16xf32>,
        tpu.vector_store %arg19[%swap3A, %swap3A_191], %get3A_190 {strides = array<i32>} : memref<32x128xf32, #tpu.memory_space<vmem>>, vector<16xf32>,
        %get3A_193 = arith.index_cast %add3A_185 : i32 to index
        %get3A_194 = arith.constant 0 : index
        %get3A_195 = tpu.vector_load %arg16[%get3A_193, %get3A_194] {strides = array<i32>} : memref<32x128xf32, #tpu.memory_space<vmem>>, vector<16xf32>,
        %add3A_196 = arith.addf %get3A_190, %get3A_195 : vector<16xf32>
        %add3A_197 = arith.addf %add3A_196, %gather3A : vector<16xf32>
        %swap3A_198 = arith.index_cast %add3A_185 : i32 to index
        %swap3A_199 = arith.constant 0 : index
        %swap3A_200 = tpu.vector_load %arg20[%swap3A_198, %swap3A_199] {strides = array<i32>} : memref<32x128xf32, #tpu.memory_space<vmem>>, vector<16xf32>,
        tpu.vector_store %arg20[%swap3A_198, %swap3A_199], %add3A_197 {strides = array<i32>} : memref<32x128xf32, #tpu.memory_space<vmem>>, vector<16xf32>,
        %mul3A_201 = arith.constant 128 : i32
        %mul3A_202 = arith.muli %add3A_185, %mul3A_201 : i32
        %add3A_203 = arith.constant 16 : i32
        %add3A_204 = arith.addi %mul3A_202, %add3A_203 : i32
        %get3A_205 = arith.index_cast %add3A_204 : i32 to index
        %get3A_206 = tpu.vector_load %arg17[%get3A_205] {strides = array<i32>} : memref<4096xf32, #tpu.memory_space<vmem>>, vector<16xf32>,
        %swap3A_207 = arith.index_cast %add3A_185 : i32 to index
        %swap3A_208 = arith.constant 16 : index
        %swap3A_209 = tpu.vector_load %arg19[%swap3A_207, %swap3A_208] {strides = array<i32>} : memref<32x128xf32, #tpu.memory_space<vmem>>, vector<16xf32>,
        tpu.vector_store %arg19[%swap3A_207, %swap3A_208], %get3A_206 {strides = array<i32>} : memref<32x128xf32, #tpu.memory_space<vmem>>, vector<16xf32>,
        %get3A_210 = arith.index_cast %add3A_185 : i32 to index
        %get3A_211 = arith.constant 16 : index
        %get3A_212 = tpu.vector_load %arg16[%get3A_210, %get3A_211] {strides = array<i32>} : memref<32x128xf32, #tpu.memory_space<vmem>>, vector<16xf32>,
        %add3A_213 = arith.addf %get3A_206, %get3A_212 : vector<16xf32>
        %add3A_214 = arith.addf %add3A_213, %gather3A : vector<16xf32>
        %swap3A_215 = arith.index_cast %add3A_185 : i32 to index
        %swap3A_216 = arith.constant 16 : index
        %swap3A_217 = tpu.vector_load %arg20[%swap3A_215, %swap3A_216] {strides = array<i32>} : memref<32x128xf32, #tpu.memory_space<vmem>>, vector<16xf32>,
        tpu.vector_store %arg20[%swap3A_215, %swap3A_216], %add3A_214 {strides = array<i32>} : memref<32x128xf32, #tpu.memory_space<vmem>>, vector<16xf32>,
        %mul3A_218 = arith.constant 128 : i32
        %mul3A_219 = arith.muli %add3A_185, %mul3A_218 : i32
        %add3A_220 = arith.constant 32 : i32
        %add3A_221 = arith.addi %mul3A_219, %add3A_220 : i32
        %get3A_222 = arith.index_cast %add3A_221 : i32 to index
        %get3A_223 = tpu.vector_load %arg17[%get3A_222] {strides = array<i32>} : memref<4096xf32, #tpu.memory_space<vmem>>, vector<16xf32>,
        %swap3A_224 = arith.index_cast %add3A_185 : i32 to index
        %swap3A_225 = arith.constant 32 : index
        %swap3A_226 = tpu.vector_load %arg19[%swap3A_224, %swap3A_225] {strides = array<i32>} : memref<32x128xf32, #tpu.memory_space<vmem>>, vector<16xf32>,
        tpu.vector_store %arg19[%swap3A_224, %swap3A_225], %get3A_223 {strides = array<i32>} : memref<32x128xf32, #tpu.memory_space<vmem>>, vector<16xf32>,
        %get3A_227 = arith.index_cast %add3A_185 : i32 to index
        %get3A_228 = arith.constant 32 : index
        %get3A_229 = tpu.vector_load %arg16[%get3A_227, %get3A_228] {strides = array<i32>} : memref<32x128xf32, #tpu.memory_space<vmem>>, vector<16xf32>,
        %add3A_230 = arith.addf %get3A_223, %get3A_229 : vector<16xf32>
        %add3A_231 = arith.addf %add3A_230, %gather3A : vector<16xf32>
        %swap3A_232 = arith.index_cast %add3A_185 : i32 to index
        %swap3A_233 = arith.constant 32 : index
        %swap3A_234 = tpu.vector_load %arg20[%swap3A_232, %swap3A_233] {strides = array<i32>} : memref<32x128xf32, #tpu.memory_space<vmem>>, vector<16xf32>,
        tpu.vector_store %arg20[%swap3A_232, %swap3A_233], %add3A_231 {strides = array<i32>} : memref<32x128xf32, #tpu.memory_space<vmem>>, vector<16xf32>,
        %mul3A_235 = arith.constant 128 : i32
        %mul3A_236 = arith.muli %add3A_185, %mul3A_235 : i32
        %add3A_237 = arith.constant 48 : i32
        %add3A_238 = arith.addi %mul3A_236, %add3A_237 : i32
        %get3A_239 = arith.index_cast %add3A_238 : i32 to index
        %get3A_240 = tpu.vector_load %arg17[%get3A_239] {strides = array<i32>} : memref<4096xf32, #tpu.memory_space<vmem>>, vector<16xf32>,
        %swap3A_241 = arith.index_cast %add3A_185 : i32 to index
        %swap3A_242 = arith.constant 48 : index
        %swap3A_243 = tpu.vector_load %arg19[%swap3A_241, %swap3A_242] {strides = array<i32>} : memref<32x128xf32, #tpu.memory_space<vmem>>, vector<16xf32>,
        tpu.vector_store %arg19[%swap3A_241, %swap3A_242], %get3A_240 {strides = array<i32>} : memref<32x128xf32, #tpu.memory_space<vmem>>, vector<16xf32>,
        %get3A_244 = arith.index_cast %add3A_185 : i32 to index
        %get3A_245 = arith.constant 48 : index
        %get3A_246 = tpu.vector_load %arg16[%get3A_244, %get3A_245] {strides = array<i32>} : memref<32x128xf32, #tpu.memory_space<vmem>>, vector<16xf32>,
        %add3A_247 = arith.addf %get3A_240, %get3A_246 : vector<16xf32>
        %add3A_248 = arith.addf %add3A_247, %gather3A : vector<16xf32>
        %swap3A_249 = arith.index_cast %add3A_185 : i32 to index
        %swap3A_250 = arith.constant 48 : index
        %swap3A_251 = tpu.vector_load %arg20[%swap3A_249, %swap3A_250] {strides = array<i32>} : memref<32x128xf32, #tpu.memory_space<vmem>>, vector<16xf32>,
        tpu.vector_store %arg20[%swap3A_249, %swap3A_250], %add3A_248 {strides = array<i32>} : memref<32x128xf32, #tpu.memory_space<vmem>>, vector<16xf32>,
        %mul3A_252 = arith.constant 128 : i32
        %mul3A_253 = arith.muli %add3A_185, %mul3A_252 : i32
        %add3A_254 = arith.constant 64 : i32
        %add3A_255 = arith.addi %mul3A_253, %add3A_254 : i32
        %get3A_256 = arith.index_cast %add3A_255 : i32 to index
        %get3A_257 = tpu.vector_load %arg17[%get3A_256] {strides = array<i32>} : memref<4096xf32, #tpu.memory_space<vmem>>, vector<16xf32>,
        %swap3A_258 = arith.index_cast %add3A_185 : i32 to index
        %swap3A_259 = arith.constant 64 : index
        %swap3A_260 = tpu.vector_load %arg19[%swap3A_258, %swap3A_259] {strides = array<i32>} : memref<32x128xf32, #tpu.memory_space<vmem>>, vector<16xf32>,
        tpu.vector_store %arg19[%swap3A_258, %swap3A_259], %get3A_257 {strides = array<i32>} : memref<32x128xf32, #tpu.memory_space<vmem>>, vector<16xf32>,
        %get3A_261 = arith.index_cast %add3A_185 : i32 to index
        %get3A_262 = arith.constant 64 : index
        %get3A_263 = tpu.vector_load %arg16[%get3A_261, %get3A_262] {strides = array<i32>} : memref<32x128xf32, #tpu.memory_space<vmem>>, vector<16xf32>,
        %add3A_264 = arith.addf %get3A_257, %get3A_263 : vector<16xf32>
        %add3A_265 = arith.addf %add3A_264, %gather3A : vector<16xf32>
        %swap3A_266 = arith.index_cast %add3A_185 : i32 to index
        %swap3A_267 = arith.constant 64 : index
        %swap3A_268 = tpu.vector_load %arg20[%swap3A_266, %swap3A_267] {strides = array<i32>} : memref<32x128xf32, #tpu.memory_space<vmem>>, vector<16xf32>,
        tpu.vector_store %arg20[%swap3A_266, %swap3A_267], %add3A_265 {strides = array<i32>} : memref<32x128xf32, #tpu.memory_space<vmem>>, vector<16xf32>,
        %mul3A_269 = arith.constant 128 : i32
        %mul3A_270 = arith.muli %add3A_185, %mul3A_269 : i32
        %add3A_271 = arith.constant 80 : i32
        %add3A_272 = arith.addi %mul3A_270, %add3A_271 : i32
        %get3A_273 = arith.index_cast %add3A_272 : i32 to index
        %get3A_274 = tpu.vector_load %arg17[%get3A_273] {strides = array<i32>} : memref<4096xf32, #tpu.memory_space<vmem>>, vector<16xf32>,
        %swap3A_275 = arith.index_cast %add3A_185 : i32 to index
        %swap3A_276 = arith.constant 80 : index
        %swap3A_277 = tpu.vector_load %arg19[%swap3A_275, %swap3A_276] {strides = array<i32>} : memref<32x128xf32, #tpu.memory_space<vmem>>, vector<16xf32>,
        tpu.vector_store %arg19[%swap3A_275, %swap3A_276], %get3A_274 {strides = array<i32>} : memref<32x128xf32, #tpu.memory_space<vmem>>, vector<16xf32>,
        %get3A_278 = arith.index_cast %add3A_185 : i32 to index
        %get3A_279 = arith.constant 80 : index
        %get3A_280 = tpu.vector_load %arg16[%get3A_278, %get3A_279] {strides = array<i32>} : memref<32x128xf32, #tpu.memory_space<vmem>>, vector<16xf32>,
        %add3A_281 = arith.addf %get3A_274, %get3A_280 : vector<16xf32>
        %add3A_282 = arith.addf %add3A_281, %gather3A : vector<16xf32>
        %swap3A_283 = arith.index_cast %add3A_185 : i32 to index
        %swap3A_284 = arith.constant 80 : index
        %swap3A_285 = tpu.vector_load %arg20[%swap3A_283, %swap3A_284] {strides = array<i32>} : memref<32x128xf32, #tpu.memory_space<vmem>>, vector<16xf32>,
        tpu.vector_store %arg20[%swap3A_283, %swap3A_284], %add3A_282 {strides = array<i32>} : memref<32x128xf32, #tpu.memory_space<vmem>>, vector<16xf32>,
        %mul3A_286 = arith.constant 128 : i32
        %mul3A_287 = arith.muli %add3A_185, %mul3A_286 : i32
        %add3A_288 = arith.constant 96 : i32
        %add3A_289 = arith.addi %mul3A_287, %add3A_288 : i32
        %get3A_290 = arith.index_cast %add3A_289 : i32 to index
        %get3A_291 = tpu.vector_load %arg17[%get3A_290] {strides = array<i32>} : memref<4096xf32, #tpu.memory_space<vmem>>, vector<16xf32>,
        %swap3A_292 = arith.index_cast %add3A_185 : i32 to index
        %swap3A_293 = arith.constant 96 : index
        %swap3A_294 = tpu.vector_load %arg19[%swap3A_292, %swap3A_293] {strides = array<i32>} : memref<32x128xf32, #tpu.memory_space<vmem>>, vector<16xf32>,
        tpu.vector_store %arg19[%swap3A_292, %swap3A_293], %get3A_291 {strides = array<i32>} : memref<32x128xf32, #tpu.memory_space<vmem>>, vector<16xf32>,
        %get3A_295 = arith.index_cast %add3A_185 : i32 to index
        %get3A_296 = arith.constant 96 : index
        %get3A_297 = tpu.vector_load %arg16[%get3A_295, %get3A_296] {strides = array<i32>} : memref<32x128xf32, #tpu.memory_space<vmem>>, vector<16xf32>,
        %add3A_298 = arith.addf %get3A_291, %get3A_297 : vector<16xf32>
        %add3A_299 = arith.addf %add3A_298, %gather3A : vector<16xf32>
        %swap3A_300 = arith.index_cast %add3A_185 : i32 to index
        %swap3A_301 = arith.constant 96 : index
        %swap3A_302 = tpu.vector_load %arg20[%swap3A_300, %swap3A_301] {strides = array<i32>} : memref<32x128xf32, #tpu.memory_space<vmem>>, vector<16xf32>,
        tpu.vector_store %arg20[%swap3A_300, %swap3A_301], %add3A_299 {strides = array<i32>} : memref<32x128xf32, #tpu.memory_space<vmem>>, vector<16xf32>,
        %mul3A_303 = arith.constant 128 : i32
        %mul3A_304 = arith.muli %add3A_185, %mul3A_303 : i32
        %add3A_305 = arith.constant 112 : i32
        %add3A_306 = arith.addi %mul3A_304, %add3A_305 : i32
        %get3A_307 = arith.index_cast %add3A_306 : i32 to index
        %get3A_308 = tpu.vector_load %arg17[%get3A_307] {strides = array<i32>} : memref<4096xf32, #tpu.memory_space<vmem>>, vector<16xf32>,
        %swap3A_309 = arith.index_cast %add3A_185 : i32 to index
        %swap3A_310 = arith.constant 112 : index
        %swap3A_311 = tpu.vector_load %arg19[%swap3A_309, %swap3A_310] {strides = array<i32>} : memref<32x128xf32, #tpu.memory_space<vmem>>, vector<16xf32>,
        tpu.vector_store %arg19[%swap3A_309, %swap3A_310], %get3A_308 {strides = array<i32>} : memref<32x128xf32, #tpu.memory_space<vmem>>, vector<16xf32>,
        %get3A_312 = arith.index_cast %add3A_185 : i32 to index
        %get3A_313 = arith.constant 112 : index
        %get3A_314 = tpu.vector_load %arg16[%get3A_312, %get3A_313] {strides = array<i32>} : memref<32x128xf32, #tpu.memory_space<vmem>>, vector<16xf32>,
        %add3A_315 = arith.addf %get3A_308, %get3A_314 : vector<16xf32>
        %add3A_316 = arith.addf %add3A_315, %gather3A : vector<16xf32>
        %swap3A_317 = arith.index_cast %add3A_185 : i32 to index
        %swap3A_318 = arith.constant 112 : index
        %swap3A_319 = tpu.vector_load %arg20[%swap3A_317, %swap3A_318] {strides = array<i32>} : memref<32x128xf32, #tpu.memory_space<vmem>>, vector<16xf32>,
        tpu.vector_store %arg20[%swap3A_317, %swap3A_318], %add3A_316 {strides = array<i32>} : memref<32x128xf32, #tpu.memory_space<vmem>>, vector<16xf32>,
      }
      %scan3A_73 = arith.constant 32 : i32
      %dma_start3A_74 = arith.constant 0 : i32
      %dma_start3A_75 = arith.constant 0 : i32
      %dma_start3A_76 = tpu.memref_slice %arg8[%add3A_56, %div3A_53, %dma_start3A_74, %rem3A_54, %dma_start3A_75] : memref<50x8x32x8x128xf32, #tpu.memory_space<hbm>> -> memref<1x1x32x1x128xf32, #tpu.memory_space<hbm>>
      %dma_start3A_77 = tpu.memref_squeeze %dma_start3A_76 : memref<1x1x32x1x128xf32, #tpu.memory_space<hbm>> -> memref<32x128xf32, #tpu.memory_space<hbm>>
      %dma_start3A_78 = arith.constant 0 : i32
      %dma_start3A_79 = arith.constant 0 : i32
      %dma_start3A_80 = tpu.memref_slice %arg8[%add3A_56, %div3A_53, %dma_start3A_78, %rem3A_54, %dma_start3A_79] : memref<50x8x32x8x128xf32, #tpu.memory_space<hbm>> -> memref<1x1x32x1x128xf32, #tpu.memory_space<hbm>>
      %dma_start3A_81 = tpu.memref_squeeze %dma_start3A_80 : memref<1x1x32x1x128xf32, #tpu.memory_space<hbm>> -> memref<32x128xf32, #tpu.memory_space<hbm>>
      tpu.enqueue_dma source(%arg19 : memref<32x128xf32, #tpu.memory_space<vmem>>) target(%dma_start3A_81 : memref<32x128xf32, #tpu.memory_space<hbm>>) target_semaphore(%arg24 : memref<!tpu.dma_semaphore, #tpu.memory_space<semaphore_mem>>)
      %dma_start3A_82 = arith.constant 0 : i32
      %dma_start3A_83 = arith.constant 0 : i32
      %dma_start3A_84 = tpu.memref_slice %arg7[%add3A_56, %div3A_53, %dma_start3A_82, %rem3A_54, %dma_start3A_83] : memref<50x8x32x8x128xf32, #tpu.memory_space<hbm>> -> memref<1x1x32x1x128xf32, #tpu.memory_space<hbm>>
      %dma_start3A_85 = tpu.memref_squeeze %dma_start3A_84 : memref<1x1x32x1x128xf32, #tpu.memory_space<hbm>> -> memref<32x128xf32, #tpu.memory_space<hbm>>
      %dma_start3A_86 = arith.constant 0 : i32
      %dma_start3A_87 = arith.constant 0 : i32
      %dma_start3A_88 = tpu.memref_slice %arg7[%add3A_56, %div3A_53, %dma_start3A_86, %rem3A_54, %dma_start3A_87] : memref<50x8x32x8x128xf32, #tpu.memory_space<hbm>> -> memref<1x1x32x1x128xf32, #tpu.memory_space<hbm>>
      %dma_start3A_89 = tpu.memref_squeeze %dma_start3A_88 : memref<1x1x32x1x128xf32, #tpu.memory_space<hbm>> -> memref<32x128xf32, #tpu.memory_space<hbm>>
      tpu.enqueue_dma source(%arg20 : memref<32x128xf32, #tpu.memory_space<vmem>>) target(%dma_start3A_89 : memref<32x128xf32, #tpu.memory_space<hbm>>) target_semaphore(%arg25 : memref<!tpu.dma_semaphore, #tpu.memory_space<semaphore_mem>>)
      %add3A_90 = arith.constant 16 : i32
      %add3A_91 = arith.addi %arg1, %add3A_90 : i32
      %dma_wait3A_92 = arith.constant 0 : i32
      %dma_wait3A_93 = tpu.memref_slice %arg21[%dma_wait3A_92] : memref<1000000xf32, #tpu.memory_space<vmem_shared>> -> memref<1000000xf32, #tpu.memory_space<vmem_shared>>
      tpu.wait_indirect_dma semaphore(%arg23 : memref<!tpu.dma_semaphore, #tpu.memory_space<semaphore_mem>>) src(%dma_wait3A_93 : memref<1000000xf32, #tpu.memory_space<vmem_shared>>) dst(%arg18 : memref<4096xf32, #tpu.memory_space<vmem>>)
      %dma_start3A_94 = arith.constant 0 : i32
      %dma_start3A_95 = tpu.memref_slice %arg21[%dma_start3A_94] : memref<1000000xf32, #tpu.memory_space<vmem_shared>> -> memref<1000000xf32, #tpu.memory_space<vmem_shared>>
      tpu.enqueue_indirect_dma source(%dma_start3A_95 : memref<1000000xf32, #tpu.memory_space<vmem_shared>>) target(%arg17 : memref<4096xf32, #tpu.memory_space<vmem>>) offsets(%arg11 : memref<4096xi32, #tpu.memory_space<vmem>>) semaphore(%arg22 : memref<!tpu.dma_semaphore, #tpu.memory_space<semaphore_mem>>)
      %gt3A_96 = arith.constant 0 : i32
      %gt3A_97 = arith.cmpi sgt, %add3A_37, %gt3A_96 : i32
      %or3A_98 = arith.constant true
      %or3A_99 = arith.ori %gt3A_97, %or3A_98 : i1
      %convert_element_type3A_100 = arith.extui %or3A_99 : i1 to i32
      %cond3A_101 = arith.constant 0 : i32
      %cond3A_102 = arith.cmpi ne, %convert_element_type3A_100, %cond3A_101 : i32
      scf.if %cond3A_102 {
        %dma_wait3A_181 = arith.constant 0 : i32
        %dma_wait3A_182 = arith.constant 0 : i32
        %dma_wait3A_183 = arith.constant 0 : i32
        %dma_wait3A_184 = arith.constant 0 : i32
        %dma_wait3A_185 = arith.constant 0 : i32
        %dma_wait3A_186 = tpu.memref_slice %arg8[%dma_wait3A_181, %dma_wait3A_182, %dma_wait3A_184, %dma_wait3A_183, %dma_wait3A_185] : memref<50x8x32x8x128xf32, #tpu.memory_space<hbm>> -> memref<1x1x32x1x128xf32, #tpu.memory_space<hbm>>
        %dma_wait3A_187 = tpu.memref_squeeze %dma_wait3A_186 : memref<1x1x32x1x128xf32, #tpu.memory_space<hbm>> -> memref<32x128xf32, #tpu.memory_space<hbm>>
        %dma_wait3A_188 = arith.constant 0 : i32
        %dma_wait3A_189 = arith.constant 0 : i32
        %dma_wait3A_190 = tpu.memref_slice %arg8[%dma_wait3A_181, %dma_wait3A_182, %dma_wait3A_188, %dma_wait3A_183, %dma_wait3A_189] : memref<50x8x32x8x128xf32, #tpu.memory_space<hbm>> -> memref<1x1x32x1x128xf32, #tpu.memory_space<hbm>>
        %dma_wait3A_191 = tpu.memref_squeeze %dma_wait3A_190 : memref<1x1x32x1x128xf32, #tpu.memory_space<hbm>> -> memref<32x128xf32, #tpu.memory_space<hbm>>
        tpu.wait_dma2 semaphore(%arg24 : memref<!tpu.dma_semaphore, #tpu.memory_space<semaphore_mem>>) src(%arg19 : memref<32x128xf32, #tpu.memory_space<vmem>>) dst(%dma_wait3A_191 : memref<32x128xf32, #tpu.memory_space<hbm>>)
        %dma_wait3A_192 = arith.constant 0 : i32
        %dma_wait3A_193 = arith.constant 0 : i32
        %dma_wait3A_194 = arith.constant 0 : i32
        %dma_wait3A_195 = arith.constant 0 : i32
        %dma_wait3A_196 = arith.constant 0 : i32
        %dma_wait3A_197 = tpu.memref_slice %arg7[%dma_wait3A_192, %dma_wait3A_193, %dma_wait3A_195, %dma_wait3A_194, %dma_wait3A_196] : memref<50x8x32x8x128xf32, #tpu.memory_space<hbm>> -> memref<1x1x32x1x128xf32, #tpu.memory_space<hbm>>
        %dma_wait3A_198 = tpu.memref_squeeze %dma_wait3A_197 : memref<1x1x32x1x128xf32, #tpu.memory_space<hbm>> -> memref<32x128xf32, #tpu.memory_space<hbm>>
        %dma_wait3A_199 = arith.constant 0 : i32
        %dma_wait3A_200 = arith.constant 0 : i32
        %dma_wait3A_201 = tpu.memref_slice %arg7[%dma_wait3A_192, %dma_wait3A_193, %dma_wait3A_199, %dma_wait3A_194, %dma_wait3A_200] : memref<50x8x32x8x128xf32, #tpu.memory_space<hbm>> -> memref<1x1x32x1x128xf32, #tpu.memory_space<hbm>>
        %dma_wait3A_202 = tpu.memref_squeeze %dma_wait3A_201 : memref<1x1x32x1x128xf32, #tpu.memory_space<hbm>> -> memref<32x128xf32, #tpu.memory_space<hbm>>
        tpu.wait_dma2 semaphore(%arg25 : memref<!tpu.dma_semaphore, #tpu.memory_space<semaphore_mem>>) src(%arg20 : memref<32x128xf32, #tpu.memory_space<vmem>>) dst(%dma_wait3A_202 : memref<32x128xf32, #tpu.memory_space<hbm>>)
      } else {
      }
      %mul3A_103 = arith.constant 50 : i32
      %mul3A_104 = arith.muli %add3A_40, %mul3A_103 : i32
      %add3A_105 = arith.addi %mul3A_104, %add3A_91 : i32
      %broadcast_in_dim3A_106 = vector.broadcast %add3A_105 : i32 to vector<16xi32>
      %gather3A_107 = tpu.vector_load_idx %arg15[%broadcast_in_dim3A_106] : memref<3200xf32, #tpu.memory_space<vmem>>[vector<16xi32>], vector<16xf32>,
      %scan3A_108 = arith.constant 0 : i32
      %scan3A_109 = arith.constant 32 : i32
      %scan3A_110 = arith.addi %scan3A_108, %scan3A_109 : i32
      %scan3A_111 = arith.constant 1 : i32
      scf.for %scan3A_181 = %scan3A_108 to %scan3A_110 step %scan3A_111  : i32 {
        %mul3A_182 = arith.constant 1 : i32
        %mul3A_183 = arith.muli %scan3A_181, %mul3A_182 : i32
        %add3A_184 = arith.constant 0 : i32
        %add3A_185 = arith.addi %add3A_184, %mul3A_183 : i32
        %mul3A_186 = arith.constant 128 : i32
        %mul3A_187 = arith.muli %add3A_185, %mul3A_186 : i32
        %add3A_188 = arith.constant 0 : i32
        %add3A_189 = arith.addi %mul3A_187, %add3A_188 : i32
        %get3A = arith.index_cast %add3A_189 : i32 to index
        %get3A_190 = tpu.vector_load %arg18[%get3A] {strides = array<i32>} : memref<4096xf32, #tpu.memory_space<vmem>>, vector<16xf32>,
        %swap3A = arith.index_cast %add3A_185 : i32 to index
        %swap3A_191 = arith.constant 0 : index
        %swap3A_192 = tpu.vector_load %arg19[%swap3A, %swap3A_191] {strides = array<i32>} : memref<32x128xf32, #tpu.memory_space<vmem>>, vector<16xf32>,
        tpu.vector_store %arg19[%swap3A, %swap3A_191], %get3A_190 {strides = array<i32>} : memref<32x128xf32, #tpu.memory_space<vmem>>, vector<16xf32>,
        %get3A_193 = arith.index_cast %add3A_185 : i32 to index
        %get3A_194 = arith.constant 0 : index
        %get3A_195 = tpu.vector_load %arg16[%get3A_193, %get3A_194] {strides = array<i32>} : memref<32x128xf32, #tpu.memory_space<vmem>>, vector<16xf32>,
        %add3A_196 = arith.addf %get3A_190, %get3A_195 : vector<16xf32>
        %add3A_197 = arith.addf %add3A_196, %gather3A_107 : vector<16xf32>
        %swap3A_198 = arith.index_cast %add3A_185 : i32 to index
        %swap3A_199 = arith.constant 0 : index
        %swap3A_200 = tpu.vector_load %arg20[%swap3A_198, %swap3A_199] {strides = array<i32>} : memref<32x128xf32, #tpu.memory_space<vmem>>, vector<16xf32>,
        tpu.vector_store %arg20[%swap3A_198, %swap3A_199], %add3A_197 {strides = array<i32>} : memref<32x128xf32, #tpu.memory_space<vmem>>, vector<16xf32>,
        %mul3A_201 = arith.constant 128 : i32
        %mul3A_202 = arith.muli %add3A_185, %mul3A_201 : i32
        %add3A_203 = arith.constant 16 : i32
        %add3A_204 = arith.addi %mul3A_202, %add3A_203 : i32
        %get3A_205 = arith.index_cast %add3A_204 : i32 to index
        %get3A_206 = tpu.vector_load %arg18[%get3A_205] {strides = array<i32>} : memref<4096xf32, #tpu.memory_space<vmem>>, vector<16xf32>,
        %swap3A_207 = arith.index_cast %add3A_185 : i32 to index
        %swap3A_208 = arith.constant 16 : index
        %swap3A_209 = tpu.vector_load %arg19[%swap3A_207, %swap3A_208] {strides = array<i32>} : memref<32x128xf32, #tpu.memory_space<vmem>>, vector<16xf32>,
        tpu.vector_store %arg19[%swap3A_207, %swap3A_208], %get3A_206 {strides = array<i32>} : memref<32x128xf32, #tpu.memory_space<vmem>>, vector<16xf32>,
        %get3A_210 = arith.index_cast %add3A_185 : i32 to index
        %get3A_211 = arith.constant 16 : index
        %get3A_212 = tpu.vector_load %arg16[%get3A_210, %get3A_211] {strides = array<i32>} : memref<32x128xf32, #tpu.memory_space<vmem>>, vector<16xf32>,
        %add3A_213 = arith.addf %get3A_206, %get3A_212 : vector<16xf32>
        %add3A_214 = arith.addf %add3A_213, %gather3A_107 : vector<16xf32>
        %swap3A_215 = arith.index_cast %add3A_185 : i32 to index
        %swap3A_216 = arith.constant 16 : index
        %swap3A_217 = tpu.vector_load %arg20[%swap3A_215, %swap3A_216] {strides = array<i32>} : memref<32x128xf32, #tpu.memory_space<vmem>>, vector<16xf32>,
        tpu.vector_store %arg20[%swap3A_215, %swap3A_216], %add3A_214 {strides = array<i32>} : memref<32x128xf32, #tpu.memory_space<vmem>>, vector<16xf32>,
        %mul3A_218 = arith.constant 128 : i32
        %mul3A_219 = arith.muli %add3A_185, %mul3A_218 : i32
        %add3A_220 = arith.constant 32 : i32
        %add3A_221 = arith.addi %mul3A_219, %add3A_220 : i32
        %get3A_222 = arith.index_cast %add3A_221 : i32 to index
        %get3A_223 = tpu.vector_load %arg18[%get3A_222] {strides = array<i32>} : memref<4096xf32, #tpu.memory_space<vmem>>, vector<16xf32>,
        %swap3A_224 = arith.index_cast %add3A_185 : i32 to index
        %swap3A_225 = arith.constant 32 : index
        %swap3A_226 = tpu.vector_load %arg19[%swap3A_224, %swap3A_225] {strides = array<i32>} : memref<32x128xf32, #tpu.memory_space<vmem>>, vector<16xf32>,
        tpu.vector_store %arg19[%swap3A_224, %swap3A_225], %get3A_223 {strides = array<i32>} : memref<32x128xf32, #tpu.memory_space<vmem>>, vector<16xf32>,
        %get3A_227 = arith.index_cast %add3A_185 : i32 to index
        %get3A_228 = arith.constant 32 : index
        %get3A_229 = tpu.vector_load %arg16[%get3A_227, %get3A_228] {strides = array<i32>} : memref<32x128xf32, #tpu.memory_space<vmem>>, vector<16xf32>,
        %add3A_230 = arith.addf %get3A_223, %get3A_229 : vector<16xf32>
        %add3A_231 = arith.addf %add3A_230, %gather3A_107 : vector<16xf32>
        %swap3A_232 = arith.index_cast %add3A_185 : i32 to index
        %swap3A_233 = arith.constant 32 : index
        %swap3A_234 = tpu.vector_load %arg20[%swap3A_232, %swap3A_233] {strides = array<i32>} : memref<32x128xf32, #tpu.memory_space<vmem>>, vector<16xf32>,
        tpu.vector_store %arg20[%swap3A_232, %swap3A_233], %add3A_231 {strides = array<i32>} : memref<32x128xf32, #tpu.memory_space<vmem>>, vector<16xf32>,
        %mul3A_235 = arith.constant 128 : i32
        %mul3A_236 = arith.muli %add3A_185, %mul3A_235 : i32
        %add3A_237 = arith.constant 48 : i32
        %add3A_238 = arith.addi %mul3A_236, %add3A_237 : i32
        %get3A_239 = arith.index_cast %add3A_238 : i32 to index
        %get3A_240 = tpu.vector_load %arg18[%get3A_239] {strides = array<i32>} : memref<4096xf32, #tpu.memory_space<vmem>>, vector<16xf32>,
        %swap3A_241 = arith.index_cast %add3A_185 : i32 to index
        %swap3A_242 = arith.constant 48 : index
        %swap3A_243 = tpu.vector_load %arg19[%swap3A_241, %swap3A_242] {strides = array<i32>} : memref<32x128xf32, #tpu.memory_space<vmem>>, vector<16xf32>,
        tpu.vector_store %arg19[%swap3A_241, %swap3A_242], %get3A_240 {strides = array<i32>} : memref<32x128xf32, #tpu.memory_space<vmem>>, vector<16xf32>,
        %get3A_244 = arith.index_cast %add3A_185 : i32 to index
        %get3A_245 = arith.constant 48 : index
        %get3A_246 = tpu.vector_load %arg16[%get3A_244, %get3A_245] {strides = array<i32>} : memref<32x128xf32, #tpu.memory_space<vmem>>, vector<16xf32>,
        %add3A_247 = arith.addf %get3A_240, %get3A_246 : vector<16xf32>
        %add3A_248 = arith.addf %add3A_247, %gather3A_107 : vector<16xf32>
        %swap3A_249 = arith.index_cast %add3A_185 : i32 to index
        %swap3A_250 = arith.constant 48 : index
        %swap3A_251 = tpu.vector_load %arg20[%swap3A_249, %swap3A_250] {strides = array<i32>} : memref<32x128xf32, #tpu.memory_space<vmem>>, vector<16xf32>,
        tpu.vector_store %arg20[%swap3A_249, %swap3A_250], %add3A_248 {strides = array<i32>} : memref<32x128xf32, #tpu.memory_space<vmem>>, vector<16xf32>,
        %mul3A_252 = arith.constant 128 : i32
        %mul3A_253 = arith.muli %add3A_185, %mul3A_252 : i32
        %add3A_254 = arith.constant 64 : i32
        %add3A_255 = arith.addi %mul3A_253, %add3A_254 : i32
        %get3A_256 = arith.index_cast %add3A_255 : i32 to index
        %get3A_257 = tpu.vector_load %arg18[%get3A_256] {strides = array<i32>} : memref<4096xf32, #tpu.memory_space<vmem>>, vector<16xf32>,
        %swap3A_258 = arith.index_cast %add3A_185 : i32 to index
        %swap3A_259 = arith.constant 64 : index
        %swap3A_260 = tpu.vector_load %arg19[%swap3A_258, %swap3A_259] {strides = array<i32>} : memref<32x128xf32, #tpu.memory_space<vmem>>, vector<16xf32>,
        tpu.vector_store %arg19[%swap3A_258, %swap3A_259], %get3A_257 {strides = array<i32>} : memref<32x128xf32, #tpu.memory_space<vmem>>, vector<16xf32>,
        %get3A_261 = arith.index_cast %add3A_185 : i32 to index
        %get3A_262 = arith.constant 64 : index
        %get3A_263 = tpu.vector_load %arg16[%get3A_261, %get3A_262] {strides = array<i32>} : memref<32x128xf32, #tpu.memory_space<vmem>>, vector<16xf32>,
        %add3A_264 = arith.addf %get3A_257, %get3A_263 : vector<16xf32>
        %add3A_265 = arith.addf %add3A_264, %gather3A_107 : vector<16xf32>
        %swap3A_266 = arith.index_cast %add3A_185 : i32 to index
        %swap3A_267 = arith.constant 64 : index
        %swap3A_268 = tpu.vector_load %arg20[%swap3A_266, %swap3A_267] {strides = array<i32>} : memref<32x128xf32, #tpu.memory_space<vmem>>, vector<16xf32>,
        tpu.vector_store %arg20[%swap3A_266, %swap3A_267], %add3A_265 {strides = array<i32>} : memref<32x128xf32, #tpu.memory_space<vmem>>, vector<16xf32>,
        %mul3A_269 = arith.constant 128 : i32
        %mul3A_270 = arith.muli %add3A_185, %mul3A_269 : i32
        %add3A_271 = arith.constant 80 : i32
        %add3A_272 = arith.addi %mul3A_270, %add3A_271 : i32
        %get3A_273 = arith.index_cast %add3A_272 : i32 to index
        %get3A_274 = tpu.vector_load %arg18[%get3A_273] {strides = array<i32>} : memref<4096xf32, #tpu.memory_space<vmem>>, vector<16xf32>,
        %swap3A_275 = arith.index_cast %add3A_185 : i32 to index
        %swap3A_276 = arith.constant 80 : index
        %swap3A_277 = tpu.vector_load %arg19[%swap3A_275, %swap3A_276] {strides = array<i32>} : memref<32x128xf32, #tpu.memory_space<vmem>>, vector<16xf32>,
        tpu.vector_store %arg19[%swap3A_275, %swap3A_276], %get3A_274 {strides = array<i32>} : memref<32x128xf32, #tpu.memory_space<vmem>>, vector<16xf32>,
        %get3A_278 = arith.index_cast %add3A_185 : i32 to index
        %get3A_279 = arith.constant 80 : index
        %get3A_280 = tpu.vector_load %arg16[%get3A_278, %get3A_279] {strides = array<i32>} : memref<32x128xf32, #tpu.memory_space<vmem>>, vector<16xf32>,
        %add3A_281 = arith.addf %get3A_274, %get3A_280 : vector<16xf32>
        %add3A_282 = arith.addf %add3A_281, %gather3A_107 : vector<16xf32>
        %swap3A_283 = arith.index_cast %add3A_185 : i32 to index
        %swap3A_284 = arith.constant 80 : index
        %swap3A_285 = tpu.vector_load %arg20[%swap3A_283, %swap3A_284] {strides = array<i32>} : memref<32x128xf32, #tpu.memory_space<vmem>>, vector<16xf32>,
        tpu.vector_store %arg20[%swap3A_283, %swap3A_284], %add3A_282 {strides = array<i32>} : memref<32x128xf32, #tpu.memory_space<vmem>>, vector<16xf32>,
        %mul3A_286 = arith.constant 128 : i32
        %mul3A_287 = arith.muli %add3A_185, %mul3A_286 : i32
        %add3A_288 = arith.constant 96 : i32
        %add3A_289 = arith.addi %mul3A_287, %add3A_288 : i32
        %get3A_290 = arith.index_cast %add3A_289 : i32 to index
        %get3A_291 = tpu.vector_load %arg18[%get3A_290] {strides = array<i32>} : memref<4096xf32, #tpu.memory_space<vmem>>, vector<16xf32>,
        %swap3A_292 = arith.index_cast %add3A_185 : i32 to index
        %swap3A_293 = arith.constant 96 : index
        %swap3A_294 = tpu.vector_load %arg19[%swap3A_292, %swap3A_293] {strides = array<i32>} : memref<32x128xf32, #tpu.memory_space<vmem>>, vector<16xf32>,
        tpu.vector_store %arg19[%swap3A_292, %swap3A_293], %get3A_291 {strides = array<i32>} : memref<32x128xf32, #tpu.memory_space<vmem>>, vector<16xf32>,
        %get3A_295 = arith.index_cast %add3A_185 : i32 to index
        %get3A_296 = arith.constant 96 : index
        %get3A_297 = tpu.vector_load %arg16[%get3A_295, %get3A_296] {strides = array<i32>} : memref<32x128xf32, #tpu.memory_space<vmem>>, vector<16xf32>,
        %add3A_298 = arith.addf %get3A_291, %get3A_297 : vector<16xf32>
        %add3A_299 = arith.addf %add3A_298, %gather3A_107 : vector<16xf32>
        %swap3A_300 = arith.index_cast %add3A_185 : i32 to index
        %swap3A_301 = arith.constant 96 : index
        %swap3A_302 = tpu.vector_load %arg20[%swap3A_300, %swap3A_301] {strides = array<i32>} : memref<32x128xf32, #tpu.memory_space<vmem>>, vector<16xf32>,
        tpu.vector_store %arg20[%swap3A_300, %swap3A_301], %add3A_299 {strides = array<i32>} : memref<32x128xf32, #tpu.memory_space<vmem>>, vector<16xf32>,
        %mul3A_303 = arith.constant 128 : i32
        %mul3A_304 = arith.muli %add3A_185, %mul3A_303 : i32
        %add3A_305 = arith.constant 112 : i32
        %add3A_306 = arith.addi %mul3A_304, %add3A_305 : i32
        %get3A_307 = arith.index_cast %add3A_306 : i32 to index
        %get3A_308 = tpu.vector_load %arg18[%get3A_307] {strides = array<i32>} : memref<4096xf32, #tpu.memory_space<vmem>>, vector<16xf32>,
        %swap3A_309 = arith.index_cast %add3A_185 : i32 to index
        %swap3A_310 = arith.constant 112 : index
        %swap3A_311 = tpu.vector_load %arg19[%swap3A_309, %swap3A_310] {strides = array<i32>} : memref<32x128xf32, #tpu.memory_space<vmem>>, vector<16xf32>,
        tpu.vector_store %arg19[%swap3A_309, %swap3A_310], %get3A_308 {strides = array<i32>} : memref<32x128xf32, #tpu.memory_space<vmem>>, vector<16xf32>,
        %get3A_312 = arith.index_cast %add3A_185 : i32 to index
        %get3A_313 = arith.constant 112 : index
        %get3A_314 = tpu.vector_load %arg16[%get3A_312, %get3A_313] {strides = array<i32>} : memref<32x128xf32, #tpu.memory_space<vmem>>, vector<16xf32>,
        %add3A_315 = arith.addf %get3A_308, %get3A_314 : vector<16xf32>
        %add3A_316 = arith.addf %add3A_315, %gather3A_107 : vector<16xf32>
        %swap3A_317 = arith.index_cast %add3A_185 : i32 to index
        %swap3A_318 = arith.constant 112 : index
        %swap3A_319 = tpu.vector_load %arg20[%swap3A_317, %swap3A_318] {strides = array<i32>} : memref<32x128xf32, #tpu.memory_space<vmem>>, vector<16xf32>,
        tpu.vector_store %arg20[%swap3A_317, %swap3A_318], %add3A_316 {strides = array<i32>} : memref<32x128xf32, #tpu.memory_space<vmem>>, vector<16xf32>,
      }
      %scan3A_112 = arith.constant 32 : i32
      %dma_start3A_113 = arith.constant 0 : i32
      %dma_start3A_114 = arith.constant 0 : i32
      %dma_start3A_115 = tpu.memref_slice %arg8[%add3A_91, %div3A_53, %dma_start3A_113, %rem3A_54, %dma_start3A_114] : memref<50x8x32x8x128xf32, #tpu.memory_space<hbm>> -> memref<1x1x32x1x128xf32, #tpu.memory_space<hbm>>
      %dma_start3A_116 = tpu.memref_squeeze %dma_start3A_115 : memref<1x1x32x1x128xf32, #tpu.memory_space<hbm>> -> memref<32x128xf32, #tpu.memory_space<hbm>>
      %dma_start3A_117 = arith.constant 0 : i32
      %dma_start3A_118 = arith.constant 0 : i32
      %dma_start3A_119 = tpu.memref_slice %arg8[%add3A_91, %div3A_53, %dma_start3A_117, %rem3A_54, %dma_start3A_118] : memref<50x8x32x8x128xf32, #tpu.memory_space<hbm>> -> memref<1x1x32x1x128xf32, #tpu.memory_space<hbm>>
      %dma_start3A_120 = tpu.memref_squeeze %dma_start3A_119 : memref<1x1x32x1x128xf32, #tpu.memory_space<hbm>> -> memref<32x128xf32, #tpu.memory_space<hbm>>
      tpu.enqueue_dma source(%arg19 : memref<32x128xf32, #tpu.memory_space<vmem>>) target(%dma_start3A_120 : memref<32x128xf32, #tpu.memory_space<hbm>>) target_semaphore(%arg24 : memref<!tpu.dma_semaphore, #tpu.memory_space<semaphore_mem>>)
      %dma_start3A_121 = arith.constant 0 : i32
      %dma_start3A_122 = arith.constant 0 : i32
      %dma_start3A_123 = tpu.memref_slice %arg7[%add3A_91, %div3A_53, %dma_start3A_121, %rem3A_54, %dma_start3A_122] : memref<50x8x32x8x128xf32, #tpu.memory_space<hbm>> -> memref<1x1x32x1x128xf32, #tpu.memory_space<hbm>>
      %dma_start3A_124 = tpu.memref_squeeze %dma_start3A_123 : memref<1x1x32x1x128xf32, #tpu.memory_space<hbm>> -> memref<32x128xf32, #tpu.memory_space<hbm>>
      %dma_start3A_125 = arith.constant 0 : i32
      %dma_start3A_126 = arith.constant 0 : i32
      %dma_start3A_127 = tpu.memref_slice %arg7[%add3A_91, %div3A_53, %dma_start3A_125, %rem3A_54, %dma_start3A_126] : memref<50x8x32x8x128xf32, #tpu.memory_space<hbm>> -> memref<1x1x32x1x128xf32, #tpu.memory_space<hbm>>
      %dma_start3A_128 = tpu.memref_squeeze %dma_start3A_127 : memref<1x1x32x1x128xf32, #tpu.memory_space<hbm>> -> memref<32x128xf32, #tpu.memory_space<hbm>>
      tpu.enqueue_dma source(%arg20 : memref<32x128xf32, #tpu.memory_space<vmem>>) target(%dma_start3A_128 : memref<32x128xf32, #tpu.memory_space<hbm>>) target_semaphore(%arg25 : memref<!tpu.dma_semaphore, #tpu.memory_space<semaphore_mem>>)
      %add3A_129 = arith.constant 32 : i32
      %add3A_130 = arith.addi %arg1, %add3A_129 : i32
      %dma_wait3A_131 = arith.constant 0 : i32
      %dma_wait3A_132 = tpu.memref_slice %arg21[%dma_wait3A_131] : memref<1000000xf32, #tpu.memory_space<vmem_shared>> -> memref<1000000xf32, #tpu.memory_space<vmem_shared>>
      tpu.wait_indirect_dma semaphore(%arg22 : memref<!tpu.dma_semaphore, #tpu.memory_space<semaphore_mem>>) src(%dma_wait3A_132 : memref<1000000xf32, #tpu.memory_space<vmem_shared>>) dst(%arg17 : memref<4096xf32, #tpu.memory_space<vmem>>)
      %add3A_133 = arith.constant 48 : i32
      %add3A_134 = arith.addi %arg1, %add3A_133 : i32
      %lt3A_135 = arith.constant 50 : i32
      %lt3A_136 = arith.cmpi slt, %add3A_134, %lt3A_135 : i32
      %convert_element_type3A_137 = arith.extui %lt3A_136 : i1 to i32
      %cond3A_138 = arith.constant 0 : i32
      %cond3A_139 = arith.cmpi ne, %convert_element_type3A_137, %cond3A_138 : i32
      scf.if %cond3A_139 {
        %dma_start3A_181 = arith.constant 0 : i32
        %dma_start3A_182 = tpu.memref_slice %arg21[%dma_start3A_181] : memref<1000000xf32, #tpu.memory_space<vmem_shared>> -> memref<1000000xf32, #tpu.memory_space<vmem_shared>>
        tpu.enqueue_indirect_dma source(%dma_start3A_182 : memref<1000000xf32, #tpu.memory_space<vmem_shared>>) target(%arg18 : memref<4096xf32, #tpu.memory_space<vmem>>) offsets(%arg12 : memref<4096xi32, #tpu.memory_space<vmem>>) semaphore(%arg23 : memref<!tpu.dma_semaphore, #tpu.memory_space<semaphore_mem>>)
      } else {
      }
      %gt3A_140 = arith.constant 0 : i32
      %gt3A_141 = arith.cmpi sgt, %add3A_37, %gt3A_140 : i32
      %or3A_142 = arith.constant true
      %or3A_143 = arith.ori %gt3A_141, %or3A_142 : i1
      %convert_element_type3A_144 = arith.extui %or3A_143 : i1 to i32
      %cond3A_145 = arith.constant 0 : i32
      %cond3A_146 = arith.cmpi ne, %convert_element_type3A_144, %cond3A_145 : i32
      scf.if %cond3A_146 {
        %dma_wait3A_181 = arith.constant 0 : i32
        %dma_wait3A_182 = arith.constant 0 : i32
        %dma_wait3A_183 = arith.constant 0 : i32
        %dma_wait3A_184 = arith.constant 0 : i32
        %dma_wait3A_185 = arith.constant 0 : i32
        %dma_wait3A_186 = tpu.memref_slice %arg8[%dma_wait3A_181, %dma_wait3A_182, %dma_wait3A_184, %dma_wait3A_183, %dma_wait3A_185] : memref<50x8x32x8x128xf32, #tpu.memory_space<hbm>> -> memref<1x1x32x1x128xf32, #tpu.memory_space<hbm>>
        %dma_wait3A_187 = tpu.memref_squeeze %dma_wait3A_186 : memref<1x1x32x1x128xf32, #tpu.memory_space<hbm>> -> memref<32x128xf32, #tpu.memory_space<hbm>>
        %dma_wait3A_188 = arith.constant 0 : i32
        %dma_wait3A_189 = arith.constant 0 : i32
        %dma_wait3A_190 = tpu.memref_slice %arg8[%dma_wait3A_181, %dma_wait3A_182, %dma_wait3A_188, %dma_wait3A_183, %dma_wait3A_189] : memref<50x8x32x8x128xf32, #tpu.memory_space<hbm>> -> memref<1x1x32x1x128xf32, #tpu.memory_space<hbm>>
        %dma_wait3A_191 = tpu.memref_squeeze %dma_wait3A_190 : memref<1x1x32x1x128xf32, #tpu.memory_space<hbm>> -> memref<32x128xf32, #tpu.memory_space<hbm>>
        tpu.wait_dma2 semaphore(%arg24 : memref<!tpu.dma_semaphore, #tpu.memory_space<semaphore_mem>>) src(%arg19 : memref<32x128xf32, #tpu.memory_space<vmem>>) dst(%dma_wait3A_191 : memref<32x128xf32, #tpu.memory_space<hbm>>)
        %dma_wait3A_192 = arith.constant 0 : i32
        %dma_wait3A_193 = arith.constant 0 : i32
        %dma_wait3A_194 = arith.constant 0 : i32
        %dma_wait3A_195 = arith.constant 0 : i32
        %dma_wait3A_196 = arith.constant 0 : i32
        %dma_wait3A_197 = tpu.memref_slice %arg7[%dma_wait3A_192, %dma_wait3A_193, %dma_wait3A_195, %dma_wait3A_194, %dma_wait3A_196] : memref<50x8x32x8x128xf32, #tpu.memory_space<hbm>> -> memref<1x1x32x1x128xf32, #tpu.memory_space<hbm>>
        %dma_wait3A_198 = tpu.memref_squeeze %dma_wait3A_197 : memref<1x1x32x1x128xf32, #tpu.memory_space<hbm>> -> memref<32x128xf32, #tpu.memory_space<hbm>>
        %dma_wait3A_199 = arith.constant 0 : i32
        %dma_wait3A_200 = arith.constant 0 : i32
        %dma_wait3A_201 = tpu.memref_slice %arg7[%dma_wait3A_192, %dma_wait3A_193, %dma_wait3A_199, %dma_wait3A_194, %dma_wait3A_200] : memref<50x8x32x8x128xf32, #tpu.memory_space<hbm>> -> memref<1x1x32x1x128xf32, #tpu.memory_space<hbm>>
        %dma_wait3A_202 = tpu.memref_squeeze %dma_wait3A_201 : memref<1x1x32x1x128xf32, #tpu.memory_space<hbm>> -> memref<32x128xf32, #tpu.memory_space<hbm>>
        tpu.wait_dma2 semaphore(%arg25 : memref<!tpu.dma_semaphore, #tpu.memory_space<semaphore_mem>>) src(%arg20 : memref<32x128xf32, #tpu.memory_space<vmem>>) dst(%dma_wait3A_202 : memref<32x128xf32, #tpu.memory_space<hbm>>)
      } else {
      }
      %mul3A_147 = arith.constant 50 : i32
      %mul3A_148 = arith.muli %add3A_40, %mul3A_147 : i32
      %add3A_149 = arith.addi %mul3A_148, %add3A_130 : i32
      %broadcast_in_dim3A_150 = vector.broadcast %add3A_149 : i32 to vector<16xi32>
      %gather3A_151 = tpu.vector_load_idx %arg15[%broadcast_in_dim3A_150] : memref<3200xf32, #tpu.memory_space<vmem>>[vector<16xi32>], vector<16xf32>,
      %scan3A_152 = arith.constant 0 : i32
      %scan3A_153 = arith.constant 32 : i32
      %scan3A_154 = arith.addi %scan3A_152, %scan3A_153 : i32
      %scan3A_155 = arith.constant 1 : i32
      scf.for %scan3A_181 = %scan3A_152 to %scan3A_154 step %scan3A_155  : i32 {
        %mul3A_182 = arith.constant 1 : i32
        %mul3A_183 = arith.muli %scan3A_181, %mul3A_182 : i32
        %add3A_184 = arith.constant 0 : i32
        %add3A_185 = arith.addi %add3A_184, %mul3A_183 : i32
        %mul3A_186 = arith.constant 128 : i32
        %mul3A_187 = arith.muli %add3A_185, %mul3A_186 : i32
        %add3A_188 = arith.constant 0 : i32
        %add3A_189 = arith.addi %mul3A_187, %add3A_188 : i32
        %get3A = arith.index_cast %add3A_189 : i32 to index
        %get3A_190 = tpu.vector_load %arg17[%get3A] {strides = array<i32>} : memref<4096xf32, #tpu.memory_space<vmem>>, vector<16xf32>,
        %swap3A = arith.index_cast %add3A_185 : i32 to index
        %swap3A_191 = arith.constant 0 : index
        %swap3A_192 = tpu.vector_load %arg19[%swap3A, %swap3A_191] {strides = array<i32>} : memref<32x128xf32, #tpu.memory_space<vmem>>, vector<16xf32>,
        tpu.vector_store %arg19[%swap3A, %swap3A_191], %get3A_190 {strides = array<i32>} : memref<32x128xf32, #tpu.memory_space<vmem>>, vector<16xf32>,
        %get3A_193 = arith.index_cast %add3A_185 : i32 to index
        %get3A_194 = arith.constant 0 : index
        %get3A_195 = tpu.vector_load %arg16[%get3A_193, %get3A_194] {strides = array<i32>} : memref<32x128xf32, #tpu.memory_space<vmem>>, vector<16xf32>,
        %add3A_196 = arith.addf %get3A_190, %get3A_195 : vector<16xf32>
        %add3A_197 = arith.addf %add3A_196, %gather3A_151 : vector<16xf32>
        %swap3A_198 = arith.index_cast %add3A_185 : i32 to index
        %swap3A_199 = arith.constant 0 : index
        %swap3A_200 = tpu.vector_load %arg20[%swap3A_198, %swap3A_199] {strides = array<i32>} : memref<32x128xf32, #tpu.memory_space<vmem>>, vector<16xf32>,
        tpu.vector_store %arg20[%swap3A_198, %swap3A_199], %add3A_197 {strides = array<i32>} : memref<32x128xf32, #tpu.memory_space<vmem>>, vector<16xf32>,
        %mul3A_201 = arith.constant 128 : i32
        %mul3A_202 = arith.muli %add3A_185, %mul3A_201 : i32
        %add3A_203 = arith.constant 16 : i32
        %add3A_204 = arith.addi %mul3A_202, %add3A_203 : i32
        %get3A_205 = arith.index_cast %add3A_204 : i32 to index
        %get3A_206 = tpu.vector_load %arg17[%get3A_205] {strides = array<i32>} : memref<4096xf32, #tpu.memory_space<vmem>>, vector<16xf32>,
        %swap3A_207 = arith.index_cast %add3A_185 : i32 to index
        %swap3A_208 = arith.constant 16 : index
        %swap3A_209 = tpu.vector_load %arg19[%swap3A_207, %swap3A_208] {strides = array<i32>} : memref<32x128xf32, #tpu.memory_space<vmem>>, vector<16xf32>,
        tpu.vector_store %arg19[%swap3A_207, %swap3A_208], %get3A_206 {strides = array<i32>} : memref<32x128xf32, #tpu.memory_space<vmem>>, vector<16xf32>,
        %get3A_210 = arith.index_cast %add3A_185 : i32 to index
        %get3A_211 = arith.constant 16 : index
        %get3A_212 = tpu.vector_load %arg16[%get3A_210, %get3A_211] {strides = array<i32>} : memref<32x128xf32, #tpu.memory_space<vmem>>, vector<16xf32>,
        %add3A_213 = arith.addf %get3A_206, %get3A_212 : vector<16xf32>
        %add3A_214 = arith.addf %add3A_213, %gather3A_151 : vector<16xf32>
        %swap3A_215 = arith.index_cast %add3A_185 : i32 to index
        %swap3A_216 = arith.constant 16 : index
        %swap3A_217 = tpu.vector_load %arg20[%swap3A_215, %swap3A_216] {strides = array<i32>} : memref<32x128xf32, #tpu.memory_space<vmem>>, vector<16xf32>,
        tpu.vector_store %arg20[%swap3A_215, %swap3A_216], %add3A_214 {strides = array<i32>} : memref<32x128xf32, #tpu.memory_space<vmem>>, vector<16xf32>,
        %mul3A_218 = arith.constant 128 : i32
        %mul3A_219 = arith.muli %add3A_185, %mul3A_218 : i32
        %add3A_220 = arith.constant 32 : i32
        %add3A_221 = arith.addi %mul3A_219, %add3A_220 : i32
        %get3A_222 = arith.index_cast %add3A_221 : i32 to index
        %get3A_223 = tpu.vector_load %arg17[%get3A_222] {strides = array<i32>} : memref<4096xf32, #tpu.memory_space<vmem>>, vector<16xf32>,
        %swap3A_224 = arith.index_cast %add3A_185 : i32 to index
        %swap3A_225 = arith.constant 32 : index
        %swap3A_226 = tpu.vector_load %arg19[%swap3A_224, %swap3A_225] {strides = array<i32>} : memref<32x128xf32, #tpu.memory_space<vmem>>, vector<16xf32>,
        tpu.vector_store %arg19[%swap3A_224, %swap3A_225], %get3A_223 {strides = array<i32>} : memref<32x128xf32, #tpu.memory_space<vmem>>, vector<16xf32>,
        %get3A_227 = arith.index_cast %add3A_185 : i32 to index
        %get3A_228 = arith.constant 32 : index
        %get3A_229 = tpu.vector_load %arg16[%get3A_227, %get3A_228] {strides = array<i32>} : memref<32x128xf32, #tpu.memory_space<vmem>>, vector<16xf32>,
        %add3A_230 = arith.addf %get3A_223, %get3A_229 : vector<16xf32>
        %add3A_231 = arith.addf %add3A_230, %gather3A_151 : vector<16xf32>
        %swap3A_232 = arith.index_cast %add3A_185 : i32 to index
        %swap3A_233 = arith.constant 32 : index
        %swap3A_234 = tpu.vector_load %arg20[%swap3A_232, %swap3A_233] {strides = array<i32>} : memref<32x128xf32, #tpu.memory_space<vmem>>, vector<16xf32>,
        tpu.vector_store %arg20[%swap3A_232, %swap3A_233], %add3A_231 {strides = array<i32>} : memref<32x128xf32, #tpu.memory_space<vmem>>, vector<16xf32>,
        %mul3A_235 = arith.constant 128 : i32
        %mul3A_236 = arith.muli %add3A_185, %mul3A_235 : i32
        %add3A_237 = arith.constant 48 : i32
        %add3A_238 = arith.addi %mul3A_236, %add3A_237 : i32
        %get3A_239 = arith.index_cast %add3A_238 : i32 to index
        %get3A_240 = tpu.vector_load %arg17[%get3A_239] {strides = array<i32>} : memref<4096xf32, #tpu.memory_space<vmem>>, vector<16xf32>,
        %swap3A_241 = arith.index_cast %add3A_185 : i32 to index
        %swap3A_242 = arith.constant 48 : index
        %swap3A_243 = tpu.vector_load %arg19[%swap3A_241, %swap3A_242] {strides = array<i32>} : memref<32x128xf32, #tpu.memory_space<vmem>>, vector<16xf32>,
        tpu.vector_store %arg19[%swap3A_241, %swap3A_242], %get3A_240 {strides = array<i32>} : memref<32x128xf32, #tpu.memory_space<vmem>>, vector<16xf32>,
        %get3A_244 = arith.index_cast %add3A_185 : i32 to index
        %get3A_245 = arith.constant 48 : index
        %get3A_246 = tpu.vector_load %arg16[%get3A_244, %get3A_245] {strides = array<i32>} : memref<32x128xf32, #tpu.memory_space<vmem>>, vector<16xf32>,
        %add3A_247 = arith.addf %get3A_240, %get3A_246 : vector<16xf32>
        %add3A_248 = arith.addf %add3A_247, %gather3A_151 : vector<16xf32>
        %swap3A_249 = arith.index_cast %add3A_185 : i32 to index
        %swap3A_250 = arith.constant 48 : index
        %swap3A_251 = tpu.vector_load %arg20[%swap3A_249, %swap3A_250] {strides = array<i32>} : memref<32x128xf32, #tpu.memory_space<vmem>>, vector<16xf32>,
        tpu.vector_store %arg20[%swap3A_249, %swap3A_250], %add3A_248 {strides = array<i32>} : memref<32x128xf32, #tpu.memory_space<vmem>>, vector<16xf32>,
        %mul3A_252 = arith.constant 128 : i32
        %mul3A_253 = arith.muli %add3A_185, %mul3A_252 : i32
        %add3A_254 = arith.constant 64 : i32
        %add3A_255 = arith.addi %mul3A_253, %add3A_254 : i32
        %get3A_256 = arith.index_cast %add3A_255 : i32 to index
        %get3A_257 = tpu.vector_load %arg17[%get3A_256] {strides = array<i32>} : memref<4096xf32, #tpu.memory_space<vmem>>, vector<16xf32>,
        %swap3A_258 = arith.index_cast %add3A_185 : i32 to index
        %swap3A_259 = arith.constant 64 : index
        %swap3A_260 = tpu.vector_load %arg19[%swap3A_258, %swap3A_259] {strides = array<i32>} : memref<32x128xf32, #tpu.memory_space<vmem>>, vector<16xf32>,
        tpu.vector_store %arg19[%swap3A_258, %swap3A_259], %get3A_257 {strides = array<i32>} : memref<32x128xf32, #tpu.memory_space<vmem>>, vector<16xf32>,
        %get3A_261 = arith.index_cast %add3A_185 : i32 to index
        %get3A_262 = arith.constant 64 : index
        %get3A_263 = tpu.vector_load %arg16[%get3A_261, %get3A_262] {strides = array<i32>} : memref<32x128xf32, #tpu.memory_space<vmem>>, vector<16xf32>,
        %add3A_264 = arith.addf %get3A_257, %get3A_263 : vector<16xf32>
        %add3A_265 = arith.addf %add3A_264, %gather3A_151 : vector<16xf32>
        %swap3A_266 = arith.index_cast %add3A_185 : i32 to index
        %swap3A_267 = arith.constant 64 : index
        %swap3A_268 = tpu.vector_load %arg20[%swap3A_266, %swap3A_267] {strides = array<i32>} : memref<32x128xf32, #tpu.memory_space<vmem>>, vector<16xf32>,
        tpu.vector_store %arg20[%swap3A_266, %swap3A_267], %add3A_265 {strides = array<i32>} : memref<32x128xf32, #tpu.memory_space<vmem>>, vector<16xf32>,
        %mul3A_269 = arith.constant 128 : i32
        %mul3A_270 = arith.muli %add3A_185, %mul3A_269 : i32
        %add3A_271 = arith.constant 80 : i32
        %add3A_272 = arith.addi %mul3A_270, %add3A_271 : i32
        %get3A_273 = arith.index_cast %add3A_272 : i32 to index
        %get3A_274 = tpu.vector_load %arg17[%get3A_273] {strides = array<i32>} : memref<4096xf32, #tpu.memory_space<vmem>>, vector<16xf32>,
        %swap3A_275 = arith.index_cast %add3A_185 : i32 to index
        %swap3A_276 = arith.constant 80 : index
        %swap3A_277 = tpu.vector_load %arg19[%swap3A_275, %swap3A_276] {strides = array<i32>} : memref<32x128xf32, #tpu.memory_space<vmem>>, vector<16xf32>,
        tpu.vector_store %arg19[%swap3A_275, %swap3A_276], %get3A_274 {strides = array<i32>} : memref<32x128xf32, #tpu.memory_space<vmem>>, vector<16xf32>,
        %get3A_278 = arith.index_cast %add3A_185 : i32 to index
        %get3A_279 = arith.constant 80 : index
        %get3A_280 = tpu.vector_load %arg16[%get3A_278, %get3A_279] {strides = array<i32>} : memref<32x128xf32, #tpu.memory_space<vmem>>, vector<16xf32>,
        %add3A_281 = arith.addf %get3A_274, %get3A_280 : vector<16xf32>
        %add3A_282 = arith.addf %add3A_281, %gather3A_151 : vector<16xf32>
        %swap3A_283 = arith.index_cast %add3A_185 : i32 to index
        %swap3A_284 = arith.constant 80 : index
        %swap3A_285 = tpu.vector_load %arg20[%swap3A_283, %swap3A_284] {strides = array<i32>} : memref<32x128xf32, #tpu.memory_space<vmem>>, vector<16xf32>,
        tpu.vector_store %arg20[%swap3A_283, %swap3A_284], %add3A_282 {strides = array<i32>} : memref<32x128xf32, #tpu.memory_space<vmem>>, vector<16xf32>,
        %mul3A_286 = arith.constant 128 : i32
        %mul3A_287 = arith.muli %add3A_185, %mul3A_286 : i32
        %add3A_288 = arith.constant 96 : i32
        %add3A_289 = arith.addi %mul3A_287, %add3A_288 : i32
        %get3A_290 = arith.index_cast %add3A_289 : i32 to index
        %get3A_291 = tpu.vector_load %arg17[%get3A_290] {strides = array<i32>} : memref<4096xf32, #tpu.memory_space<vmem>>, vector<16xf32>,
        %swap3A_292 = arith.index_cast %add3A_185 : i32 to index
        %swap3A_293 = arith.constant 96 : index
        %swap3A_294 = tpu.vector_load %arg19[%swap3A_292, %swap3A_293] {strides = array<i32>} : memref<32x128xf32, #tpu.memory_space<vmem>>, vector<16xf32>,
        tpu.vector_store %arg19[%swap3A_292, %swap3A_293], %get3A_291 {strides = array<i32>} : memref<32x128xf32, #tpu.memory_space<vmem>>, vector<16xf32>,
        %get3A_295 = arith.index_cast %add3A_185 : i32 to index
        %get3A_296 = arith.constant 96 : index
        %get3A_297 = tpu.vector_load %arg16[%get3A_295, %get3A_296] {strides = array<i32>} : memref<32x128xf32, #tpu.memory_space<vmem>>, vector<16xf32>,
        %add3A_298 = arith.addf %get3A_291, %get3A_297 : vector<16xf32>
        %add3A_299 = arith.addf %add3A_298, %gather3A_151 : vector<16xf32>
        %swap3A_300 = arith.index_cast %add3A_185 : i32 to index
        %swap3A_301 = arith.constant 96 : index
        %swap3A_302 = tpu.vector_load %arg20[%swap3A_300, %swap3A_301] {strides = array<i32>} : memref<32x128xf32, #tpu.memory_space<vmem>>, vector<16xf32>,
        tpu.vector_store %arg20[%swap3A_300, %swap3A_301], %add3A_299 {strides = array<i32>} : memref<32x128xf32, #tpu.memory_space<vmem>>, vector<16xf32>,
        %mul3A_303 = arith.constant 128 : i32
        %mul3A_304 = arith.muli %add3A_185, %mul3A_303 : i32
        %add3A_305 = arith.constant 112 : i32
        %add3A_306 = arith.addi %mul3A_304, %add3A_305 : i32
        %get3A_307 = arith.index_cast %add3A_306 : i32 to index
        %get3A_308 = tpu.vector_load %arg17[%get3A_307] {strides = array<i32>} : memref<4096xf32, #tpu.memory_space<vmem>>, vector<16xf32>,
        %swap3A_309 = arith.index_cast %add3A_185 : i32 to index
        %swap3A_310 = arith.constant 112 : index
        %swap3A_311 = tpu.vector_load %arg19[%swap3A_309, %swap3A_310] {strides = array<i32>} : memref<32x128xf32, #tpu.memory_space<vmem>>, vector<16xf32>,
        tpu.vector_store %arg19[%swap3A_309, %swap3A_310], %get3A_308 {strides = array<i32>} : memref<32x128xf32, #tpu.memory_space<vmem>>, vector<16xf32>,
        %get3A_312 = arith.index_cast %add3A_185 : i32 to index
        %get3A_313 = arith.constant 112 : index
        %get3A_314 = tpu.vector_load %arg16[%get3A_312, %get3A_313] {strides = array<i32>} : memref<32x128xf32, #tpu.memory_space<vmem>>, vector<16xf32>,
        %add3A_315 = arith.addf %get3A_308, %get3A_314 : vector<16xf32>
        %add3A_316 = arith.addf %add3A_315, %gather3A_151 : vector<16xf32>
        %swap3A_317 = arith.index_cast %add3A_185 : i32 to index
        %swap3A_318 = arith.constant 112 : index
        %swap3A_319 = tpu.vector_load %arg20[%swap3A_317, %swap3A_318] {strides = array<i32>} : memref<32x128xf32, #tpu.memory_space<vmem>>, vector<16xf32>,
        tpu.vector_store %arg20[%swap3A_317, %swap3A_318], %add3A_316 {strides = array<i32>} : memref<32x128xf32, #tpu.memory_space<vmem>>, vector<16xf32>,
      }
      %scan3A_156 = arith.constant 32 : i32
      %dma_start3A_157 = arith.constant 0 : i32
      %dma_start3A_158 = arith.constant 0 : i32
      %dma_start3A_159 = tpu.memref_slice %arg8[%add3A_130, %div3A_53, %dma_start3A_157, %rem3A_54, %dma_start3A_158] : memref<50x8x32x8x128xf32, #tpu.memory_space<hbm>> -> memref<1x1x32x1x128xf32, #tpu.memory_space<hbm>>
      %dma_start3A_160 = tpu.memref_squeeze %dma_start3A_159 : memref<1x1x32x1x128xf32, #tpu.memory_space<hbm>> -> memref<32x128xf32, #tpu.memory_space<hbm>>
      %dma_start3A_161 = arith.constant 0 : i32
      %dma_start3A_162 = arith.constant 0 : i32
      %dma_start3A_163 = tpu.memref_slice %arg8[%add3A_130, %div3A_53, %dma_start3A_161, %rem3A_54, %dma_start3A_162] : memref<50x8x32x8x128xf32, #tpu.memory_space<hbm>> -> memref<1x1x32x1x128xf32, #tpu.memory_space<hbm>>
      %dma_start3A_164 = tpu.memref_squeeze %dma_start3A_163 : memref<1x1x32x1x128xf32, #tpu.memory_space<hbm>> -> memref<32x128xf32, #tpu.memory_space<hbm>>
      tpu.enqueue_dma source(%arg19 : memref<32x128xf32, #tpu.memory_space<vmem>>) target(%dma_start3A_164 : memref<32x128xf32, #tpu.memory_space<hbm>>) target_semaphore(%arg24 : memref<!tpu.dma_semaphore, #tpu.memory_space<semaphore_mem>>)
      %dma_start3A_165 = arith.constant 0 : i32
      %dma_start3A_166 = arith.constant 0 : i32
      %dma_start3A_167 = tpu.memref_slice %arg7[%add3A_130, %div3A_53, %dma_start3A_165, %rem3A_54, %dma_start3A_166] : memref<50x8x32x8x128xf32, #tpu.memory_space<hbm>> -> memref<1x1x32x1x128xf32, #tpu.memory_space<hbm>>
      %dma_start3A_168 = tpu.memref_squeeze %dma_start3A_167 : memref<1x1x32x1x128xf32, #tpu.memory_space<hbm>> -> memref<32x128xf32, #tpu.memory_space<hbm>>
      %dma_start3A_169 = arith.constant 0 : i32
      %dma_start3A_170 = arith.constant 0 : i32
      %dma_start3A_171 = tpu.memref_slice %arg7[%add3A_130, %div3A_53, %dma_start3A_169, %rem3A_54, %dma_start3A_170] : memref<50x8x32x8x128xf32, #tpu.memory_space<hbm>> -> memref<1x1x32x1x128xf32, #tpu.memory_space<hbm>>
      %dma_start3A_172 = tpu.memref_squeeze %dma_start3A_171 : memref<1x1x32x1x128xf32, #tpu.memory_space<hbm>> -> memref<32x128xf32, #tpu.memory_space<hbm>>
      tpu.enqueue_dma source(%arg20 : memref<32x128xf32, #tpu.memory_space<vmem>>) target(%dma_start3A_172 : memref<32x128xf32, #tpu.memory_space<hbm>>) target_semaphore(%arg25 : memref<!tpu.dma_semaphore, #tpu.memory_space<semaphore_mem>>)
      %add3A_173 = arith.constant 48 : i32
      %add3A_174 = arith.addi %arg1, %add3A_173 : i32
      %lt3A_175 = arith.constant 50 : i32
      %lt3A_176 = arith.cmpi slt, %add3A_174, %lt3A_175 : i32
      %convert_element_type3A_177 = arith.extui %lt3A_176 : i1 to i32
      %cond3A_178 = arith.constant 0 : i32
      %cond3A_179 = arith.cmpi ne, %convert_element_type3A_177, %cond3A_178 : i32
      scf.if %cond3A_179 {
        %add3A_181 = arith.constant 48 : i32
        %add3A_182 = arith.addi %arg1, %add3A_181 : i32
        %dma_wait3A_183 = arith.constant 0 : i32
        %dma_wait3A_184 = tpu.memref_slice %arg21[%dma_wait3A_183] : memref<1000000xf32, #tpu.memory_space<vmem_shared>> -> memref<1000000xf32, #tpu.memory_space<vmem_shared>>
        tpu.wait_indirect_dma semaphore(%arg23 : memref<!tpu.dma_semaphore, #tpu.memory_space<semaphore_mem>>) src(%dma_wait3A_184 : memref<1000000xf32, #tpu.memory_space<vmem_shared>>) dst(%arg18 : memref<4096xf32, #tpu.memory_space<vmem>>)
        %gt3A_185 = arith.constant 0 : i32
        %gt3A_186 = arith.cmpi sgt, %add3A_37, %gt3A_185 : i32
        %or3A_187 = arith.constant true
        %or3A_188 = arith.ori %gt3A_186, %or3A_187 : i1
        %convert_element_type3A_189 = arith.extui %or3A_188 : i1 to i32
        %cond3A_190 = arith.constant 0 : i32
        %cond3A_191 = arith.cmpi ne, %convert_element_type3A_189, %cond3A_190 : i32
        scf.if %cond3A_191 {
          %dma_wait3A_218 = arith.constant 0 : i32
          %dma_wait3A_219 = arith.constant 0 : i32
          %dma_wait3A_220 = arith.constant 0 : i32
          %dma_wait3A_221 = arith.constant 0 : i32
          %dma_wait3A_222 = arith.constant 0 : i32
          %dma_wait3A_223 = tpu.memref_slice %arg8[%dma_wait3A_218, %dma_wait3A_219, %dma_wait3A_221, %dma_wait3A_220, %dma_wait3A_222] : memref<50x8x32x8x128xf32, #tpu.memory_space<hbm>> -> memref<1x1x32x1x128xf32, #tpu.memory_space<hbm>>
          %dma_wait3A_224 = tpu.memref_squeeze %dma_wait3A_223 : memref<1x1x32x1x128xf32, #tpu.memory_space<hbm>> -> memref<32x128xf32, #tpu.memory_space<hbm>>
          %dma_wait3A_225 = arith.constant 0 : i32
          %dma_wait3A_226 = arith.constant 0 : i32
          %dma_wait3A_227 = tpu.memref_slice %arg8[%dma_wait3A_218, %dma_wait3A_219, %dma_wait3A_225, %dma_wait3A_220, %dma_wait3A_226] : memref<50x8x32x8x128xf32, #tpu.memory_space<hbm>> -> memref<1x1x32x1x128xf32, #tpu.memory_space<hbm>>
          %dma_wait3A_228 = tpu.memref_squeeze %dma_wait3A_227 : memref<1x1x32x1x128xf32, #tpu.memory_space<hbm>> -> memref<32x128xf32, #tpu.memory_space<hbm>>
          tpu.wait_dma2 semaphore(%arg24 : memref<!tpu.dma_semaphore, #tpu.memory_space<semaphore_mem>>) src(%arg19 : memref<32x128xf32, #tpu.memory_space<vmem>>) dst(%dma_wait3A_228 : memref<32x128xf32, #tpu.memory_space<hbm>>)
          %dma_wait3A_229 = arith.constant 0 : i32
          %dma_wait3A_230 = arith.constant 0 : i32
          %dma_wait3A_231 = arith.constant 0 : i32
          %dma_wait3A_232 = arith.constant 0 : i32
          %dma_wait3A_233 = arith.constant 0 : i32
          %dma_wait3A_234 = tpu.memref_slice %arg7[%dma_wait3A_229, %dma_wait3A_230, %dma_wait3A_232, %dma_wait3A_231, %dma_wait3A_233] : memref<50x8x32x8x128xf32, #tpu.memory_space<hbm>> -> memref<1x1x32x1x128xf32, #tpu.memory_space<hbm>>
          %dma_wait3A_235 = tpu.memref_squeeze %dma_wait3A_234 : memref<1x1x32x1x128xf32, #tpu.memory_space<hbm>> -> memref<32x128xf32, #tpu.memory_space<hbm>>
          %dma_wait3A_236 = arith.constant 0 : i32
          %dma_wait3A_237 = arith.constant 0 : i32
          %dma_wait3A_238 = tpu.memref_slice %arg7[%dma_wait3A_229, %dma_wait3A_230, %dma_wait3A_236, %dma_wait3A_231, %dma_wait3A_237] : memref<50x8x32x8x128xf32, #tpu.memory_space<hbm>> -> memref<1x1x32x1x128xf32, #tpu.memory_space<hbm>>
          %dma_wait3A_239 = tpu.memref_squeeze %dma_wait3A_238 : memref<1x1x32x1x128xf32, #tpu.memory_space<hbm>> -> memref<32x128xf32, #tpu.memory_space<hbm>>
          tpu.wait_dma2 semaphore(%arg25 : memref<!tpu.dma_semaphore, #tpu.memory_space<semaphore_mem>>) src(%arg20 : memref<32x128xf32, #tpu.memory_space<vmem>>) dst(%dma_wait3A_239 : memref<32x128xf32, #tpu.memory_space<hbm>>)
        } else {
        }
        %mul3A_192 = arith.constant 50 : i32
        %mul3A_193 = arith.muli %add3A_40, %mul3A_192 : i32
        %add3A_194 = arith.addi %mul3A_193, %add3A_182 : i32
        %broadcast_in_dim3A_195 = vector.broadcast %add3A_194 : i32 to vector<16xi32>
        %gather3A_196 = tpu.vector_load_idx %arg15[%broadcast_in_dim3A_195] : memref<3200xf32, #tpu.memory_space<vmem>>[vector<16xi32>], vector<16xf32>,
        %scan3A_197 = arith.constant 0 : i32
        %scan3A_198 = arith.constant 32 : i32
        %scan3A_199 = arith.addi %scan3A_197, %scan3A_198 : i32
        %scan3A_200 = arith.constant 1 : i32
        scf.for %scan3A_218 = %scan3A_197 to %scan3A_199 step %scan3A_200  : i32 {
          %mul3A_219 = arith.constant 1 : i32
          %mul3A_220 = arith.muli %scan3A_218, %mul3A_219 : i32
          %add3A_221 = arith.constant 0 : i32
          %add3A_222 = arith.addi %add3A_221, %mul3A_220 : i32
          %mul3A_223 = arith.constant 128 : i32
          %mul3A_224 = arith.muli %add3A_222, %mul3A_223 : i32
          %add3A_225 = arith.constant 0 : i32
          %add3A_226 = arith.addi %mul3A_224, %add3A_225 : i32
          %get3A = arith.index_cast %add3A_226 : i32 to index
          %get3A_227 = tpu.vector_load %arg18[%get3A] {strides = array<i32>} : memref<4096xf32, #tpu.memory_space<vmem>>, vector<16xf32>,
          %swap3A = arith.index_cast %add3A_222 : i32 to index
          %swap3A_228 = arith.constant 0 : index
          %swap3A_229 = tpu.vector_load %arg19[%swap3A, %swap3A_228] {strides = array<i32>} : memref<32x128xf32, #tpu.memory_space<vmem>>, vector<16xf32>,
          tpu.vector_store %arg19[%swap3A, %swap3A_228], %get3A_227 {strides = array<i32>} : memref<32x128xf32, #tpu.memory_space<vmem>>, vector<16xf32>,
          %get3A_230 = arith.index_cast %add3A_222 : i32 to index
          %get3A_231 = arith.constant 0 : index
          %get3A_232 = tpu.vector_load %arg16[%get3A_230, %get3A_231] {strides = array<i32>} : memref<32x128xf32, #tpu.memory_space<vmem>>, vector<16xf32>,
          %add3A_233 = arith.addf %get3A_227, %get3A_232 : vector<16xf32>
          %add3A_234 = arith.addf %add3A_233, %gather3A_196 : vector<16xf32>
          %swap3A_235 = arith.index_cast %add3A_222 : i32 to index
          %swap3A_236 = arith.constant 0 : index
          %swap3A_237 = tpu.vector_load %arg20[%swap3A_235, %swap3A_236] {strides = array<i32>} : memref<32x128xf32, #tpu.memory_space<vmem>>, vector<16xf32>,
          tpu.vector_store %arg20[%swap3A_235, %swap3A_236], %add3A_234 {strides = array<i32>} : memref<32x128xf32, #tpu.memory_space<vmem>>, vector<16xf32>,
          %mul3A_238 = arith.constant 128 : i32
          %mul3A_239 = arith.muli %add3A_222, %mul3A_238 : i32
          %add3A_240 = arith.constant 16 : i32
          %add3A_241 = arith.addi %mul3A_239, %add3A_240 : i32
          %get3A_242 = arith.index_cast %add3A_241 : i32 to index
          %get3A_243 = tpu.vector_load %arg18[%get3A_242] {strides = array<i32>} : memref<4096xf32, #tpu.memory_space<vmem>>, vector<16xf32>,
          %swap3A_244 = arith.index_cast %add3A_222 : i32 to index
          %swap3A_245 = arith.constant 16 : index
          %swap3A_246 = tpu.vector_load %arg19[%swap3A_244, %swap3A_245] {strides = array<i32>} : memref<32x128xf32, #tpu.memory_space<vmem>>, vector<16xf32>,
          tpu.vector_store %arg19[%swap3A_244, %swap3A_245], %get3A_243 {strides = array<i32>} : memref<32x128xf32, #tpu.memory_space<vmem>>, vector<16xf32>,
          %get3A_247 = arith.index_cast %add3A_222 : i32 to index
          %get3A_248 = arith.constant 16 : index
          %get3A_249 = tpu.vector_load %arg16[%get3A_247, %get3A_248] {strides = array<i32>} : memref<32x128xf32, #tpu.memory_space<vmem>>, vector<16xf32>,
          %add3A_250 = arith.addf %get3A_243, %get3A_249 : vector<16xf32>
          %add3A_251 = arith.addf %add3A_250, %gather3A_196 : vector<16xf32>
          %swap3A_252 = arith.index_cast %add3A_222 : i32 to index
          %swap3A_253 = arith.constant 16 : index
          %swap3A_254 = tpu.vector_load %arg20[%swap3A_252, %swap3A_253] {strides = array<i32>} : memref<32x128xf32, #tpu.memory_space<vmem>>, vector<16xf32>,
          tpu.vector_store %arg20[%swap3A_252, %swap3A_253], %add3A_251 {strides = array<i32>} : memref<32x128xf32, #tpu.memory_space<vmem>>, vector<16xf32>,
          %mul3A_255 = arith.constant 128 : i32
          %mul3A_256 = arith.muli %add3A_222, %mul3A_255 : i32
          %add3A_257 = arith.constant 32 : i32
          %add3A_258 = arith.addi %mul3A_256, %add3A_257 : i32
          %get3A_259 = arith.index_cast %add3A_258 : i32 to index
          %get3A_260 = tpu.vector_load %arg18[%get3A_259] {strides = array<i32>} : memref<4096xf32, #tpu.memory_space<vmem>>, vector<16xf32>,
          %swap3A_261 = arith.index_cast %add3A_222 : i32 to index
          %swap3A_262 = arith.constant 32 : index
          %swap3A_263 = tpu.vector_load %arg19[%swap3A_261, %swap3A_262] {strides = array<i32>} : memref<32x128xf32, #tpu.memory_space<vmem>>, vector<16xf32>,
          tpu.vector_store %arg19[%swap3A_261, %swap3A_262], %get3A_260 {strides = array<i32>} : memref<32x128xf32, #tpu.memory_space<vmem>>, vector<16xf32>,
          %get3A_264 = arith.index_cast %add3A_222 : i32 to index
          %get3A_265 = arith.constant 32 : index
          %get3A_266 = tpu.vector_load %arg16[%get3A_264, %get3A_265] {strides = array<i32>} : memref<32x128xf32, #tpu.memory_space<vmem>>, vector<16xf32>,
          %add3A_267 = arith.addf %get3A_260, %get3A_266 : vector<16xf32>
          %add3A_268 = arith.addf %add3A_267, %gather3A_196 : vector<16xf32>
          %swap3A_269 = arith.index_cast %add3A_222 : i32 to index
          %swap3A_270 = arith.constant 32 : index
          %swap3A_271 = tpu.vector_load %arg20[%swap3A_269, %swap3A_270] {strides = array<i32>} : memref<32x128xf32, #tpu.memory_space<vmem>>, vector<16xf32>,
          tpu.vector_store %arg20[%swap3A_269, %swap3A_270], %add3A_268 {strides = array<i32>} : memref<32x128xf32, #tpu.memory_space<vmem>>, vector<16xf32>,
          %mul3A_272 = arith.constant 128 : i32
          %mul3A_273 = arith.muli %add3A_222, %mul3A_272 : i32
          %add3A_274 = arith.constant 48 : i32
          %add3A_275 = arith.addi %mul3A_273, %add3A_274 : i32
          %get3A_276 = arith.index_cast %add3A_275 : i32 to index
          %get3A_277 = tpu.vector_load %arg18[%get3A_276] {strides = array<i32>} : memref<4096xf32, #tpu.memory_space<vmem>>, vector<16xf32>,
          %swap3A_278 = arith.index_cast %add3A_222 : i32 to index
          %swap3A_279 = arith.constant 48 : index
          %swap3A_280 = tpu.vector_load %arg19[%swap3A_278, %swap3A_279] {strides = array<i32>} : memref<32x128xf32, #tpu.memory_space<vmem>>, vector<16xf32>,
          tpu.vector_store %arg19[%swap3A_278, %swap3A_279], %get3A_277 {strides = array<i32>} : memref<32x128xf32, #tpu.memory_space<vmem>>, vector<16xf32>,
          %get3A_281 = arith.index_cast %add3A_222 : i32 to index
          %get3A_282 = arith.constant 48 : index
          %get3A_283 = tpu.vector_load %arg16[%get3A_281, %get3A_282] {strides = array<i32>} : memref<32x128xf32, #tpu.memory_space<vmem>>, vector<16xf32>,
          %add3A_284 = arith.addf %get3A_277, %get3A_283 : vector<16xf32>
          %add3A_285 = arith.addf %add3A_284, %gather3A_196 : vector<16xf32>
          %swap3A_286 = arith.index_cast %add3A_222 : i32 to index
          %swap3A_287 = arith.constant 48 : index
          %swap3A_288 = tpu.vector_load %arg20[%swap3A_286, %swap3A_287] {strides = array<i32>} : memref<32x128xf32, #tpu.memory_space<vmem>>, vector<16xf32>,
          tpu.vector_store %arg20[%swap3A_286, %swap3A_287], %add3A_285 {strides = array<i32>} : memref<32x128xf32, #tpu.memory_space<vmem>>, vector<16xf32>,
          %mul3A_289 = arith.constant 128 : i32
          %mul3A_290 = arith.muli %add3A_222, %mul3A_289 : i32
          %add3A_291 = arith.constant 64 : i32
          %add3A_292 = arith.addi %mul3A_290, %add3A_291 : i32
          %get3A_293 = arith.index_cast %add3A_292 : i32 to index
          %get3A_294 = tpu.vector_load %arg18[%get3A_293] {strides = array<i32>} : memref<4096xf32, #tpu.memory_space<vmem>>, vector<16xf32>,
          %swap3A_295 = arith.index_cast %add3A_222 : i32 to index
          %swap3A_296 = arith.constant 64 : index
          %swap3A_297 = tpu.vector_load %arg19[%swap3A_295, %swap3A_296] {strides = array<i32>} : memref<32x128xf32, #tpu.memory_space<vmem>>, vector<16xf32>,
          tpu.vector_store %arg19[%swap3A_295, %swap3A_296], %get3A_294 {strides = array<i32>} : memref<32x128xf32, #tpu.memory_space<vmem>>, vector<16xf32>,
          %get3A_298 = arith.index_cast %add3A_222 : i32 to index
          %get3A_299 = arith.constant 64 : index
          %get3A_300 = tpu.vector_load %arg16[%get3A_298, %get3A_299] {strides = array<i32>} : memref<32x128xf32, #tpu.memory_space<vmem>>, vector<16xf32>,
          %add3A_301 = arith.addf %get3A_294, %get3A_300 : vector<16xf32>
          %add3A_302 = arith.addf %add3A_301, %gather3A_196 : vector<16xf32>
          %swap3A_303 = arith.index_cast %add3A_222 : i32 to index
          %swap3A_304 = arith.constant 64 : index
          %swap3A_305 = tpu.vector_load %arg20[%swap3A_303, %swap3A_304] {strides = array<i32>} : memref<32x128xf32, #tpu.memory_space<vmem>>, vector<16xf32>,
          tpu.vector_store %arg20[%swap3A_303, %swap3A_304], %add3A_302 {strides = array<i32>} : memref<32x128xf32, #tpu.memory_space<vmem>>, vector<16xf32>,
          %mul3A_306 = arith.constant 128 : i32
          %mul3A_307 = arith.muli %add3A_222, %mul3A_306 : i32
          %add3A_308 = arith.constant 80 : i32
          %add3A_309 = arith.addi %mul3A_307, %add3A_308 : i32
          %get3A_310 = arith.index_cast %add3A_309 : i32 to index
          %get3A_311 = tpu.vector_load %arg18[%get3A_310] {strides = array<i32>} : memref<4096xf32, #tpu.memory_space<vmem>>, vector<16xf32>,
          %swap3A_312 = arith.index_cast %add3A_222 : i32 to index
          %swap3A_313 = arith.constant 80 : index
          %swap3A_314 = tpu.vector_load %arg19[%swap3A_312, %swap3A_313] {strides = array<i32>} : memref<32x128xf32, #tpu.memory_space<vmem>>, vector<16xf32>,
          tpu.vector_store %arg19[%swap3A_312, %swap3A_313], %get3A_311 {strides = array<i32>} : memref<32x128xf32, #tpu.memory_space<vmem>>, vector<16xf32>,
          %get3A_315 = arith.index_cast %add3A_222 : i32 to index
          %get3A_316 = arith.constant 80 : index
          %get3A_317 = tpu.vector_load %arg16[%get3A_315, %get3A_316] {strides = array<i32>} : memref<32x128xf32, #tpu.memory_space<vmem>>, vector<16xf32>,
          %add3A_318 = arith.addf %get3A_311, %get3A_317 : vector<16xf32>
          %add3A_319 = arith.addf %add3A_318, %gather3A_196 : vector<16xf32>
          %swap3A_320 = arith.index_cast %add3A_222 : i32 to index
          %swap3A_321 = arith.constant 80 : index
          %swap3A_322 = tpu.vector_load %arg20[%swap3A_320, %swap3A_321] {strides = array<i32>} : memref<32x128xf32, #tpu.memory_space<vmem>>, vector<16xf32>,
          tpu.vector_store %arg20[%swap3A_320, %swap3A_321], %add3A_319 {strides = array<i32>} : memref<32x128xf32, #tpu.memory_space<vmem>>, vector<16xf32>,
          %mul3A_323 = arith.constant 128 : i32
          %mul3A_324 = arith.muli %add3A_222, %mul3A_323 : i32
          %add3A_325 = arith.constant 96 : i32
          %add3A_326 = arith.addi %mul3A_324, %add3A_325 : i32
          %get3A_327 = arith.index_cast %add3A_326 : i32 to index
          %get3A_328 = tpu.vector_load %arg18[%get3A_327] {strides = array<i32>} : memref<4096xf32, #tpu.memory_space<vmem>>, vector<16xf32>,
          %swap3A_329 = arith.index_cast %add3A_222 : i32 to index
          %swap3A_330 = arith.constant 96 : index
          %swap3A_331 = tpu.vector_load %arg19[%swap3A_329, %swap3A_330] {strides = array<i32>} : memref<32x128xf32, #tpu.memory_space<vmem>>, vector<16xf32>,
          tpu.vector_store %arg19[%swap3A_329, %swap3A_330], %get3A_328 {strides = array<i32>} : memref<32x128xf32, #tpu.memory_space<vmem>>, vector<16xf32>,
          %get3A_332 = arith.index_cast %add3A_222 : i32 to index
          %get3A_333 = arith.constant 96 : index
          %get3A_334 = tpu.vector_load %arg16[%get3A_332, %get3A_333] {strides = array<i32>} : memref<32x128xf32, #tpu.memory_space<vmem>>, vector<16xf32>,
          %add3A_335 = arith.addf %get3A_328, %get3A_334 : vector<16xf32>
          %add3A_336 = arith.addf %add3A_335, %gather3A_196 : vector<16xf32>
          %swap3A_337 = arith.index_cast %add3A_222 : i32 to index
          %swap3A_338 = arith.constant 96 : index
          %swap3A_339 = tpu.vector_load %arg20[%swap3A_337, %swap3A_338] {strides = array<i32>} : memref<32x128xf32, #tpu.memory_space<vmem>>, vector<16xf32>,
          tpu.vector_store %arg20[%swap3A_337, %swap3A_338], %add3A_336 {strides = array<i32>} : memref<32x128xf32, #tpu.memory_space<vmem>>, vector<16xf32>,
          %mul3A_340 = arith.constant 128 : i32
          %mul3A_341 = arith.muli %add3A_222, %mul3A_340 : i32
          %add3A_342 = arith.constant 112 : i32
          %add3A_343 = arith.addi %mul3A_341, %add3A_342 : i32
          %get3A_344 = arith.index_cast %add3A_343 : i32 to index
          %get3A_345 = tpu.vector_load %arg18[%get3A_344] {strides = array<i32>} : memref<4096xf32, #tpu.memory_space<vmem>>, vector<16xf32>,
          %swap3A_346 = arith.index_cast %add3A_222 : i32 to index
          %swap3A_347 = arith.constant 112 : index
          %swap3A_348 = tpu.vector_load %arg19[%swap3A_346, %swap3A_347] {strides = array<i32>} : memref<32x128xf32, #tpu.memory_space<vmem>>, vector<16xf32>,
          tpu.vector_store %arg19[%swap3A_346, %swap3A_347], %get3A_345 {strides = array<i32>} : memref<32x128xf32, #tpu.memory_space<vmem>>, vector<16xf32>,
          %get3A_349 = arith.index_cast %add3A_222 : i32 to index
          %get3A_350 = arith.constant 112 : index
          %get3A_351 = tpu.vector_load %arg16[%get3A_349, %get3A_350] {strides = array<i32>} : memref<32x128xf32, #tpu.memory_space<vmem>>, vector<16xf32>,
          %add3A_352 = arith.addf %get3A_345, %get3A_351 : vector<16xf32>
          %add3A_353 = arith.addf %add3A_352, %gather3A_196 : vector<16xf32>
          %swap3A_354 = arith.index_cast %add3A_222 : i32 to index
          %swap3A_355 = arith.constant 112 : index
          %swap3A_356 = tpu.vector_load %arg20[%swap3A_354, %swap3A_355] {strides = array<i32>} : memref<32x128xf32, #tpu.memory_space<vmem>>, vector<16xf32>,
          tpu.vector_store %arg20[%swap3A_354, %swap3A_355], %add3A_353 {strides = array<i32>} : memref<32x128xf32, #tpu.memory_space<vmem>>, vector<16xf32>,
        }
        %scan3A_201 = arith.constant 32 : i32
        %dma_start3A_202 = arith.constant 0 : i32
        %dma_start3A_203 = arith.constant 0 : i32
        %dma_start3A_204 = tpu.memref_slice %arg8[%add3A_182, %div3A_53, %dma_start3A_202, %rem3A_54, %dma_start3A_203] : memref<50x8x32x8x128xf32, #tpu.memory_space<hbm>> -> memref<1x1x32x1x128xf32, #tpu.memory_space<hbm>>
        %dma_start3A_205 = tpu.memref_squeeze %dma_start3A_204 : memref<1x1x32x1x128xf32, #tpu.memory_space<hbm>> -> memref<32x128xf32, #tpu.memory_space<hbm>>
        %dma_start3A_206 = arith.constant 0 : i32
        %dma_start3A_207 = arith.constant 0 : i32
        %dma_start3A_208 = tpu.memref_slice %arg8[%add3A_182, %div3A_53, %dma_start3A_206, %rem3A_54, %dma_start3A_207] : memref<50x8x32x8x128xf32, #tpu.memory_space<hbm>> -> memref<1x1x32x1x128xf32, #tpu.memory_space<hbm>>
        %dma_start3A_209 = tpu.memref_squeeze %dma_start3A_208 : memref<1x1x32x1x128xf32, #tpu.memory_space<hbm>> -> memref<32x128xf32, #tpu.memory_space<hbm>>
        tpu.enqueue_dma source(%arg19 : memref<32x128xf32, #tpu.memory_space<vmem>>) target(%dma_start3A_209 : memref<32x128xf32, #tpu.memory_space<hbm>>) target_semaphore(%arg24 : memref<!tpu.dma_semaphore, #tpu.memory_space<semaphore_mem>>)
        %dma_start3A_210 = arith.constant 0 : i32
        %dma_start3A_211 = arith.constant 0 : i32
        %dma_start3A_212 = tpu.memref_slice %arg7[%add3A_182, %div3A_53, %dma_start3A_210, %rem3A_54, %dma_start3A_211] : memref<50x8x32x8x128xf32, #tpu.memory_space<hbm>> -> memref<1x1x32x1x128xf32, #tpu.memory_space<hbm>>
        %dma_start3A_213 = tpu.memref_squeeze %dma_start3A_212 : memref<1x1x32x1x128xf32, #tpu.memory_space<hbm>> -> memref<32x128xf32, #tpu.memory_space<hbm>>
        %dma_start3A_214 = arith.constant 0 : i32
        %dma_start3A_215 = arith.constant 0 : i32
        %dma_start3A_216 = tpu.memref_slice %arg7[%add3A_182, %div3A_53, %dma_start3A_214, %rem3A_54, %dma_start3A_215] : memref<50x8x32x8x128xf32, #tpu.memory_space<hbm>> -> memref<1x1x32x1x128xf32, #tpu.memory_space<hbm>>
        %dma_start3A_217 = tpu.memref_squeeze %dma_start3A_216 : memref<1x1x32x1x128xf32, #tpu.memory_space<hbm>> -> memref<32x128xf32, #tpu.memory_space<hbm>>
        tpu.enqueue_dma source(%arg20 : memref<32x128xf32, #tpu.memory_space<vmem>>) target(%dma_start3A_217 : memref<32x128xf32, #tpu.memory_space<hbm>>) target_semaphore(%arg25 : memref<!tpu.dma_semaphore, #tpu.memory_space<semaphore_mem>>)
      } else {
      }
      %barrier3A_180 = arith.constant 0 : index
      tpu.barrier barrier_id(%barrier3A_180)
    }
    %scan3A_12 = arith.constant 32 : i32
    %dma_wait3A = arith.constant 0 : i32
    %dma_wait3A_13 = arith.constant 0 : i32
    %dma_wait3A_14 = arith.constant 0 : i32
    %dma_wait3A_15 = arith.constant 0 : i32
    %dma_wait3A_16 = arith.constant 0 : i32
    %dma_wait3A_17 = tpu.memref_slice %arg8[%dma_wait3A, %dma_wait3A_13, %dma_wait3A_15, %dma_wait3A_14, %dma_wait3A_16] : memref<50x8x32x8x128xf32, #tpu.memory_space<hbm>> -> memref<1x1x32x1x128xf32, #tpu.memory_space<hbm>>
    %dma_wait3A_18 = tpu.memref_squeeze %dma_wait3A_17 : memref<1x1x32x1x128xf32, #tpu.memory_space<hbm>> -> memref<32x128xf32, #tpu.memory_space<hbm>>
    %dma_wait3A_19 = arith.constant 0 : i32
    %dma_wait3A_20 = arith.constant 0 : i32
    %dma_wait3A_21 = tpu.memref_slice %arg8[%dma_wait3A, %dma_wait3A_13, %dma_wait3A_19, %dma_wait3A_14, %dma_wait3A_20] : memref<50x8x32x8x128xf32, #tpu.memory_space<hbm>> -> memref<1x1x32x1x128xf32, #tpu.memory_space<hbm>>
    %dma_wait3A_22 = tpu.memref_squeeze %dma_wait3A_21 : memref<1x1x32x1x128xf32, #tpu.memory_space<hbm>> -> memref<32x128xf32, #tpu.memory_space<hbm>>
    tpu.wait_dma2 semaphore(%arg24 : memref<!tpu.dma_semaphore, #tpu.memory_space<semaphore_mem>>) src(%arg19 : memref<32x128xf32, #tpu.memory_space<vmem>>) dst(%dma_wait3A_22 : memref<32x128xf32, #tpu.memory_space<hbm>>)
    %dma_wait3A_23 = arith.constant 0 : i32
    %dma_wait3A_24 = arith.constant 0 : i32
    %dma_wait3A_25 = arith.constant 0 : i32
    %dma_wait3A_26 = arith.constant 0 : i32
    %dma_wait3A_27 = arith.constant 0 : i32
    %dma_wait3A_28 = tpu.memref_slice %arg7[%dma_wait3A_23, %dma_wait3A_24, %dma_wait3A_26, %dma_wait3A_25, %dma_wait3A_27] : memref<50x8x32x8x128xf32, #tpu.memory_space<hbm>> -> memref<1x1x32x1x128xf32, #tpu.memory_space<hbm>>
    %dma_wait3A_29 = tpu.memref_squeeze %dma_wait3A_28 : memref<1x1x32x1x128xf32, #tpu.memory_space<hbm>> -> memref<32x128xf32, #tpu.memory_space<hbm>>
    %dma_wait3A_30 = arith.constant 0 : i32
    %dma_wait3A_31 = arith.constant 0 : i32
    %dma_wait3A_32 = tpu.memref_slice %arg7[%dma_wait3A_23, %dma_wait3A_24, %dma_wait3A_30, %dma_wait3A_25, %dma_wait3A_31] : memref<50x8x32x8x128xf32, #tpu.memory_space<hbm>> -> memref<1x1x32x1x128xf32, #tpu.memory_space<hbm>>
    %dma_wait3A_33 = tpu.memref_squeeze %dma_wait3A_32 : memref<1x1x32x1x128xf32, #tpu.memory_space<hbm>> -> memref<32x128xf32, #tpu.memory_space<hbm>>
    tpu.wait_dma2 semaphore(%arg25 : memref<!tpu.dma_semaphore, #tpu.memory_space<semaphore_mem>>) src(%arg20 : memref<32x128xf32, #tpu.memory_space<vmem>>) dst(%dma_wait3A_33 : memref<32x128xf32, #tpu.memory_space<hbm>>)
    return
  }
}

</mosaic_0001>

<sc_bundles>
// kernel: _sc_call.3.cloned.1.call-start
scs
__scs_entry_jumppad:
0x0: {  	(pc) =	sbr.rel $0x88, $3  }
0x1: {  	(tag) =	ssettag $0x0;
	lr =	simm.s32 $0x1  }
0x2: {  	[smem:$0x3F9C] =	sst lr;
	_ =	strace $0xD0000000  }
0x3: {  	_ = 	snop  }
0x4: {  	_ = 	snop  }
0x5: {  	_ = 	snop  }
0x6: {  	_ = 	snop  }
0x7: {  	_ = 	snop  }
__scs_overlays_trampoline_lowered:
0x8: {  	[smem:$0x3FAB] =	sst s0  }
0x9: {  	[smem:$0x3FAC] =	sst s1  }
0xa: {  	[smem:$0x3FAD] =	sst s2  }
0xb: {  	[smem:$0x3FAE] =	sst s3  }
0xc: {  	[smem:$0x3FAF] =	sst s4  }
0xd: {  	[smem:$0x3FB0] =	sst s5  }
0xe: {  	[smem:$0x3FB1] =	sst s6  }
0xf: {  	[smem:$0x3FB2] =	sst s7  }
0x10: {  	[smem:$0x3FB3] =	sst s8  }
0x11: {  	[smem:$0x3FB4] =	sst s9;
	s0 =	simm.s32 @!p0 $0x0  }
0x12: {  	s1 =	sld [smem:$0x3F9A];
	s0 =	simm.s32 @p0 $0x1  }
0x13: {  	[smem:$0x3FB5] =	sst s0;
	s0 =	simm.s32 @!p1 $0x0  }
0x14: {  	s2 =	sld [smem:$0x3F99];
	s0 =	simm.s32 @p1 $0x1  }
0x15: {  	[smem:$0x3FB6] =	sst s0;
	s0 =	simm.s32 @!p2 $0x0  }
0x16: {  	s3 =	sld [smem:$0x3FDB];
	s0 =	simm.s32 @p2 $0x1  }
0x17: {  	s4 =	simm.s32 $0x1BF5;
	[smem:$0x3FB8] =	sst s0  }
0x18: {  	s0 =	sld [smem:$0x3F9B];
	_ =	swait.ge [sflag:s4], $0x0  }
0x19: {  	s7 =	sld [smem:$0x3F9C]  }
0x1a: {  	s8 =	sadd.s32 $0xFFFFE003, lr  }
0x1b: {  	s9 =	sadd.s32 $0xFFFFFEF7, lr;
	s5 =	simm.s32 $0xFFFFFFFF;
	p2 =	slt.u32 s8, $0xFFFFF086  }
0x1c: {  	p1 =	slt.u32 s9, $0xF7A;
	s5 =	simm.s32 @!p2 $0x0  }
0x1d: {  	s5 =	simm.s32 @p1 $0x1;
	p0 =	seq.s32 s7, s2  }
0x1e: {  	s7 =	smul.u32 @!p0 $0xF7A, s2;
	p2 =	seq.s32 @!p0 s5, $0x0  }
0x1f: {  	s9 =	smul.u32 $0xF7A, s1;
	s8 =	simm.s32 @!p0 $0x1BF5;
	p2 =	por !p2, p0  }
0x20: {  	[sflag:s8] =	ssyncset.s32 @!p0 $0xFFFFF086;
	s6 =	sadd.s32 @!p0 s3, s7;
	s7 =	simm.s32 @!p0 $0x108  }
0x21: {  	s3 =	sadd.s32 s3, s9;
	s6 =	sadd.s32 @!p0 $0x88, s6;
	s7 =	simm.s32 @p2 $0x1082  }
0x22: {  	[simem:s7], [sflag:s8] =	dma.local @!p0 [hbm:s6], $0xF7A  }
0x23: {  	s9 =	sor.u32 $0xD0000000, s2;
	s6 =	simm.s32 $0x108;
	_ =	swait.ge @!p0 [sflag:s8], $0x0  }
0x24: {  	s3 =	sadd.s32 $0x88, s3;
	s6 =	simm.s32 @!p1 $0x1082;
	[sflag:s4] =	ssyncset.s32 $0xFFFFF086  }
0x25: {  	[simem:s6], [sflag:s4] =	dma.local [hbm:s3], $0xF7A  }
0x26: {  	[smem:$0x3F9C] =	sst s1;
	(tag) =	ssettag s2;
	_ =	strace s9  }
0x27: {  	s1 =	sld [smem:$0x3FAC]  }
0x28: {  	s2 =	sld [smem:$0x3FAD]  }
0x29: {  	s4 =	sld [smem:$0x3FAF]  }
0x2a: {  	p0 =	seq.s32 s5, $0x0;
	s5 =	sld [smem:$0x3FB0]  }
0x2b: {  	s6 =	sld [smem:$0x3FB1]  }
0x2c: {  	s7 =	sld [smem:$0x3FB2]  }
0x2d: {  	s3 =	simm.s32 $0x108;
	s8 =	sld [smem:$0x3FB3]  }
0x2e: {  	s3 =	simm.s32 @!p0 $0x1082;
	s9 =	sld [smem:$0x3FB4]  }
0x2f: {  	lr =	sadd.s32 s0, s3;
	s0 =	sld [smem:$0x3FAB]  }
0x30: {  	s3 =	sld [smem:$0x3FAE]  }
0x31: {  	[smem:$0x3FB7] =	sst s10  }
0x32: {  	s10 =	sld [smem:$0x3FB5];
	_ =	sdelay $0x3  }
0x33: {  	p0 =	seq.s32 s10, $0x1;
	s10 =	sld [smem:$0x3FB7];
	_ =	sdelay $0x3  }
0x34: {  	[smem:$0x3FB7] =	sst s10  }
0x35: {  	s10 =	sld [smem:$0x3FB6];
	_ =	sdelay $0x3  }
0x36: {  	p1 =	seq.s32 s10, $0x1;
	s10 =	sld [smem:$0x3FB7];
	_ =	sdelay $0x3  }
0x37: {  	[smem:$0x3FB7] =	sst s10  }
0x38: {  	s10 =	sld [smem:$0x3FB8]  }
0x39: {  	_ = 	snop;
	(pc) =	sbr.ind lr, $3  }
0x3a: {  	_ = 	snop  }
0x3b: {  	_ = 	snop  }
0x3c: {  	p2 =	seq.s32 s10, $0x1;
	s10 =	sld [smem:$0x3FB7]  }
0x3d: {  	_ =	shalt  }
0x3e: {  	_ =	shalt  }
0x3f: {  	_ =	shalt  }
0x40: {  	_ =	shalt  }
0x41: {  	_ =	shalt  }
0x42: {  	_ =	shalt  }
0x43: {  	_ =	shalt  }
0x44: {  	_ =	shalt  }
0x45: {  	_ =	shalt  }
0x46: {  	_ =	shalt  }
0x47: {  	_ =	shalt  }
0x48: {  	_ =	shalt  }
0x49: {  	_ =	shalt  }
0x4a: {  	_ =	shalt  }
0x4b: {  	_ =	shalt  }
0x4c: {  	_ =	shalt  }
0x4d: {  	_ =	shalt  }
0x4e: {  	_ =	shalt  }
0x4f: {  	_ =	shalt  }
0x50: {  	_ =	shalt  }
0x51: {  	_ =	shalt  }
0x52: {  	_ =	shalt  }
0x53: {  	_ =	shalt  }
0x54: {  	_ =	shalt  }
0x55: {  	_ =	shalt  }
0x56: {  	_ =	shalt  }
0x57: {  	_ =	shalt  }
0x58: {  	_ =	shalt  }
0x59: {  	_ =	shalt  }
0x5a: {  	_ =	shalt  }
0x5b: {  	_ =	shalt  }
0x5c: {  	_ =	shalt  }
0x5d: {  	_ =	shalt  }
0x5e: {  	_ =	shalt  }
0x5f: {  	_ =	shalt  }
0x60: {  	_ =	shalt  }
0x61: {  	_ =	shalt  }
0x62: {  	_ =	shalt  }
0x63: {  	_ =	shalt  }
0x64: {  	_ =	shalt  }
0x65: {  	_ =	shalt  }
0x66: {  	_ =	shalt  }
0x67: {  	_ =	shalt  }
0x68: {  	_ =	shalt  }
0x69: {  	_ =	shalt  }
0x6a: {  	_ =	shalt  }
0x6b: {  	_ =	shalt  }
0x6c: {  	_ =	shalt  }
0x6d: {  	_ =	shalt  }
0x6e: {  	_ =	shalt  }
0x6f: {  	_ =	shalt  }
0x70: {  	_ =	shalt  }
0x71: {  	_ =	shalt  }
0x72: {  	_ =	shalt  }
0x73: {  	_ =	shalt  }
0x74: {  	_ =	shalt  }
0x75: {  	_ =	shalt  }
0x76: {  	_ =	shalt  }
0x77: {  	_ =	shalt  }
0x78: {  	_ =	shalt  }
0x79: {  	_ =	shalt  }
0x7a: {  	_ =	shalt  }
0x7b: {  	_ =	shalt  }
0x7c: {  	_ =	shalt  }
0x7d: {  	_ =	shalt  }
0x7e: {  	_ =	shalt  }
0x7f: {  	_ =	shalt  }
0x80: {  	_ =	shalt  }
0x81: {  	_ =	shalt  }
0x82: {  	_ =	shalt  }
0x83: {  	_ =	shalt  }
0x84: {  	_ =	shalt  }
0x85: {  	_ =	shalt  }
0x86: {  	_ =	shalt  }
0x87: {  	_ =	shalt  }
.Lfunc_end0:
.L_simem_size_0:
called_computation_lowered:
.L_overlay_start_0:
0x88: {  	s2 =	sld [smem:$0x3FD9]  }
0x89: {  	s3 =	sld [smem:$0x3FFE];
	_ =	sdelay $0x1  }
0x8a: {  	s1 =	srdreg.scid  }
0x8b: {  	s0 =	sand.u32 $0x1, s1  }
0x8c: {  	s15 =	sshll.u32 s0, $0xA;
	s2 =	sadd.s32 s3, s2  }
0x8d: {  	s2 =	sadd.s32 s2, s15  }
0x8e: {  	[smem:$0x3FC3] =	sst s2  }
0x8f: {  	_ = 	snop  }
0x90: {  	s2 =	sld [smem:$0x3FC9]  }
0x91: {  	s16 =	sld [smem:$0x3FC8]  }
0x92: {  	s4 =	sld [smem:$0x3FD0]  }
0x93: {  	s5 =	sld [smem:$0x3FC7]  }
0x94: {  	s6 =	sld [smem:$0x3FC6]  }
0x95: {  	s8 =	simm.s32 $0xA;
	s9 =	simm.s32 $0x10;
	s7 =	sld [smem:$0x3FC5]  }
0x96: {  	[smem:s9], [sflag:s8] =	dma.local [hbm:s4], $0x1  }
0x97: {  	_ =	swait.eq [sflag:s8], $0x1  }
0x98: {  	[sflag:s8] =	ssyncset.done $0x0  }
0x99: {  	s17 =	sld [smem:$0x10];
	[sflag:s8] =	ssyncadd.s32 $0xFFFFFFFF  }
0x9a: {  	s18 =	sld [smem:$0x11];
	(tm) =	ssettm $0x1  }
0x9b: {  	s19 =	sld [smem:$0x3FFB];
	_ =	sdelay $0x3  }
0x9c: {  	_ =	strace s19  }
0x9d: {  	s9 =	sld [smem:$0x3FFC];
	_ =	sdelay $0x3  }
0x9e: {  	_ =	strace s9  }
0x9f: {  	s9 =	sld [smem:$0x3FFD];
	_ =	sdelay $0x3  }
0xa0: {  	_ =	strace s9  }
0xa1: {  	_ =	strace $0x8FFFFFFF  }
0xa2: {  	s20 =	sld [smem:$0x3FDB];
	_ =	sdelay $0x1  }
0xa3: {  	s10 =	simm.s32 $_scs_section_size  }
0xa4: {  	s11 =	simm.s32 $_size__tile_overlayer_lowered;
	s12 =	simm.s32 $_tile_overlayer_lowered  }
0xa5: {  	s23 =	simm.s32 $0x1BFF;
	s22 =	sshll.u32 s12, $0x1;
	s9 =	sadd.s32 s10, s20  }
0xa6: {  	s13 =	simm.s32 $0x0;
	s21 =	sshll.u32 s11, $0x1;
	s11 =	sadd.s32 s22, s9  }
0xa7: {  	[timem:s13], [sflag:s23] =	dma.local [hbm:s11], s21  }
0xa8: {  	_ =	swait.ge [sflag:s23], s21  }
0xa9: {  	s10 =	ssub.s32 $0x0, s21;
	[sflag:s23] =	ssyncset.done $0x0  }
0xaa: {  	[sflag:s23] =	ssyncadd.s32 s10;
	_ =	sdelay $0x1  }
0xab: {  	s24 =	simm.s32 $0x1B8B  }
0xac: {  	_ =	swait.ge [sflag:s24], $0x1  }
0xad: {  	[sflag:s24] =	ssyncset.done $0x0  }
0xae: {  	s25 =	simm.s32 $0x1B8E;
	[sflag:s24] =	ssyncadd.s32 $0xFFFFFFFF  }
0xaf: {  	s26 =	simm.s32 $execute0_lowered;
	[smem:$0x3FD2] =	sst s25  }
0xb0: {  	s10 =	sshll.u32 s26, $0x1;
	_ =	strace $0x80000046;
	[dreg:$0x1] =	wrdreg $0xFFFFFFFF  }
0xb1: {  	s28 =	simm.s32 $_size_execute0_lowered;
	s9 =	sadd.s32 s9, s10;
	[dreg:$0x0] =	wrdreg $0x0  }
0xb2: {  	s10 =	sshll.u32 s28, $0x1;
	[dreg:$0x2] =	wrdreg s9  }
0xb3: {  	[dreg:$0x3] =	wrdreg s10  }
0xb4: {  	[dreg:$0x4] =	wrdreg $0xC0  }
0xb5: {  	_ =	task [dreg:s13], $0x5FFFF  }
0xb6: {  	[dreg:$0x1] =	wrdreg $0xFFFFFFFF  }
0xb7: {  	[dreg:$0x0] =	wrdreg $0x60  }
0xb8: {  	[dreg:$0x2] =	wrdreg s2  }
0xb9: {  	[dreg:$0x3] =	wrdreg s16  }
0xba: {  	[dreg:$0x4] =	wrdreg s5  }
0xbb: {  	[dreg:$0x5] =	wrdreg s6  }
0xbc: {  	[dreg:$0x6] =	wrdreg s7  }
0xbd: {  	[dreg:$0x7] =	wrdreg s17  }
0xbe: {  	[dreg:$0x8] =	wrdreg s18  }
0xbf: {  	[dreg:$0x9] =	wrdreg $0xAD800  }
0xc0: {  	[dreg:$0xa] =	wrdreg $0x9  }
0xc1: {  	_ =	task.clear_ibuf [dreg:s13], $0xBFFFF;
	_ =	strace $0x90000046  }
0xc2: {  	s29 =	simm.s32 $0x9;
	_ =	strace $0x80000048  }
0xc3: {  	_ =	swait.ge [sflag:s29], $0x1  }
0xc4: {  	[sflag:s29] =	ssyncadd.s32 $0xFFFFFFFF  }
0xc5: {  	_ =	strace $0x90000048  }
0xc6: {  	_ =	sfence  }
0xc7: {  	s30 =	sld [smem:$0x0];
	_ =	sdelay $0x2  }
0xc8: {  	s31 =	sshll.u32 s1, $0xD;
	s1 =	sshrl.u32 s1, $0x2  }
0xc9: {  	s3 =	sand.u32 $0x4000, s31;
	s1 =	sadd.s32 s1, s30  }
0xca: {  	s0 =	sor.u32 s3, s0;
	s1 =	sshll.u32 s1, $0x11  }
0xcb: {  	s0 =	sor.u32 s1, s0  }
0xcc: {  	s0 =	sadd.s32 $0x8F2B, s0  }
0xcd: {  	[sflag:s0] =	ssyncadd.remote.s32 $0x1  }
0xce: {  	_ =	sfence.sel $0xFFFF  }
0xcf: {  	[dreg:$0x0] =	wrdreg $0xFFFFFFFF;
	(pc) =	sbr.abs _section_cstart, $3  }
0xd0: {  	[dreg:$0x1] =	wrdreg $0xFFFFFFFF  }
0xd1: {  	_ =	task.clear_ibuf [dreg:s13], $0x2FFFF;
	_ =	strace $0x9FFFFFFF  }
0xd2: {  	(tm) =	ssettm $0x7FFFFFFF  }
0xd3: {  	_ =	shalt  }
tec
execute0_lowered:
.L_overlay_start_1:
0x0: {  	(tag) =	ssettag $0x1  }
0x1: {  	s0 =	rddreg [dreg:$0x0]  }
0x2: {  	s5 =	rddreg [dreg:$0x5]  }
0x3: {  	s6 =	rddreg [dreg:$0x6]  }
0x4: {  	s7 =	rddreg [dreg:$0x7];
	s1 =	srdreg.scid;
	s2 =	simm.s32 $0x0  }
0x5: {  	s12 =	stileid.u32;
	s28 =	simm.s32 $0x80;
	s29 =	simm.s32 $0x400  }
0x6: {  	s30 =	simm.s32 $0x1000;
	s31 =	simm.s32 $0x2000;
	s13 =	simm.s32 $0x3  }
0x7: {  	s14 =	simm.s32 $0x4;
	s1 =	sand.u32 $0x1, s1;
	[smem:$0x7FF] =	sst s2  }
0x8: {  	s20 =	sshll.u32 s12, $0xC;
	s4 =	sshll.u32 s12, $0x7;
	s10 =	sor.u32 $0x10, s12  }
0x9: {  	s11 =	sor.u32 $0x20, s12;
	s22 =	sshll.u32 s12, $0x4;
	s24 =	sor.u32 $0x30, s12  }
0xa: {  	s18 =	sshll.u32 s12, $0x12;
	p1 =	sgt.u32 s12, $0x1;
	p0 =	sne.s32 s12, $0x0  }
0xb: {  	s12 =	simm.s32 $0x2;
	s19 =	ssub.s32 $0x2, s1;
	_ =	strace $0x80000047  }
0xc: {  	s8 =	sshll.u32 s10, $0xC;
	s9 =	sshll.u32 s11, $0xC;
	s17 =	sshll.u32 s1, $0x5  }
0xd: {  	[dreg:$0xc] =	wrdreg s24;
	s25 =	sshll.u32 s24, $0x12;
	s3 =	sshrl.u32 s19, $0x1  }
0xe: {  	s8 =	sor.u32 s4, s8;
	[dreg:$0xe] =	wrdreg s25;
	s25 =	simm.s32 $0x5100  }
0xf: {  	s2 =	ssub.s32 s19, s3;
	s3 =	sor.u32 s4, s20;
	s4 =	sor.u32 s4, s9  }
0x10: {  	s21 =	sand.u32 $0x18380, s8;
	s19 =	sshll.u32 s10, $0x12;
	s20 =	sshll.u32 s11, $0x12  }
0x11: {  	s8 =	simm.s32 $0x0;
	s3 =	sand.u32 $0x8380, s3;
	s4 =	sand.u32 $0x28380, s4  }
0x12: {  	s26 =	smax.u32 s2, $0x1;
	s2 =	simm.s32 $0x7D80;
	s3 =	sshrl.u32 s3, $0x3  }
0x13: {  	s4 =	sshrl.u32 s4, $0x3;
	[dreg:$0xf] =	wrdreg s26;
	s26 =	simm.s32 $0x9D80  }
.Ltmp0:
0x14: {  	s3 =	sadd.s32 s0, s3;
	s23 =	sadd.s32 s0, s4;
	(pc) =	sbr.rel .LBB2_1-.Ltmp0, $4  }
0x15: {  	s4 =	simm.s32 $0x8D80;
	[dreg:$0x9] =	wrdreg s3;
	s3 =	sshrl.u32 s21, $0x3  }
0x16: {  	[dreg:$0xb] =	wrdreg s23;
	s3 =	sadd.s32 s0, s3;
	s0 =	sadd.s32 s22, s0  }
0x17: {  	s23 =	simm.s32 $0x5000;
	[dreg:$0xa] =	wrdreg s3;
	s0 =	sadd.s32 $0x6000, s0  }
0x18: {  	s3 =	simm.s32 $0x6D80;
	[dreg:$0xd] =	wrdreg s0;
	s0 =	simm.s32 $0x1  }
.LBB2_15:
0x19: {  	_ =	swait.ge [sflag:s13], $0x1000  }
0x1a: {  	[sflag:s13] =	ssyncset.done $0x0  }
0x1b: {  	[sflag:s13] =	ssyncadd.s32 $0xFFFFF000  }
0x1c: {  	_ =	swait.ge [sflag:s14], $0x1000  }
0x1d: {  	s8 =	rddreg [dreg:$0x10]  }
0x1e: {  	s1 =	rddreg [dreg:$0xf];
	s8 =	sadd.s32 $0x1, s8  }
0x1f: {  	p2 =	sne.s32 s8, s1  }
.Ltmp1:
0x20: {  	_ = 	snop;
	(pc) =	sbr.rel @!p2 .LBB2_16-.Ltmp1, $3  }
0x21: {  	_ =	sdelay $0x1  }
0x22: {  	[sflag:s14] =	ssyncset.done $0x0  }
0x23: {  	[sflag:s14] =	ssyncadd.s32 $0xFFFFF000  }
.LBB2_1:
0x24: {  	[dreg:$0x10] =	wrdreg s8  }
0x25: {  	s1 =	rddreg [dreg:$0x3];
	s24 =	simm.s32 $0x0;
	s9 =	simm.s32 $0x5  }
0x26: {  	[tilespmem:s23], [sflag:$0x5] =	stream.linear.gather [hbm4b:s1+s24], $0x100, $0x38;
	[tilespmem:$0x1A1A8] =	vst v63  }
0x27: {  	_ =	swait.ge [sflag:s9], $0x100  }
0x28: {  	[sflag:s9] =	ssyncset.done $0x0  }
0x29: {  	[sflag:s9] =	ssyncadd.s32 $0xFFFFFF00  }
0x2a: {  	s15 =	rddreg [dreg:$0x4]  }
0x2b: {  	[tilespmem:s25], [sflag:$0x5] =	stream.linear.gather [hbm4b:s15+s24], $0xC80, $0x38;
	[tilespmem:$0x1A1A8] =	vst v63  }
0x2c: {  	_ =	swait.ge [sflag:s9], $0xC80  }
0x2d: {  	[sflag:s9] =	ssyncset.done $0x0  }
0x2e: {  	[sflag:s9] =	ssyncadd.s32 $0xFFFFF380  }
0x2f: {  	s15 =	simm.s32 $0x4000;
	s16 =	rddreg [dreg:$0x1]  }
0x30: {  	[tilespmem:s15], [sflag:$0x5] =	stream.linear.gather [hbm4b:s16+s24], $0x1000, $0x38;
	[tilespmem:$0x1A1A8] =	vst v63  }
0x31: {  	_ =	swait.ge [sflag:s9], $0x1000  }
0x32: {  	[sflag:s9] =	ssyncset.done $0x0  }
0x33: {  	s21 =	rddreg [dreg:$0x9];
	[sflag:s9] =	ssyncadd.s32 $0xFFFFF000  }
0x34: {  	[tilespmem:s24], [sflag:$0x5] =	stream.strided.gather [hbm4b:s21+s28], $0x1000, s29, s28, $0x38;
	[tilespmem:$0x1A1A8] =	vst v63  }
0x35: {  	_ =	swait.ge [sflag:s9], $0x1000  }
0x36: {  	[sflag:s9] =	ssyncset.done $0x0  }
0x37: {  	s22 =	rddreg [dreg:$0xa];
	[sflag:s9] =	ssyncadd.s32 $0xFFFFF000  }
0x38: {  	[tilespmem:s30], [sflag:$0x5] =	stream.strided.gather [hbm4b:s22+s28], $0x1000, s29, s28, $0x38;
	[tilespmem:$0x1A1A8] =	vst v63  }
0x39: {  	_ =	swait.ge [sflag:s9], $0x1000  }
0x3a: {  	[sflag:s9] =	ssyncset.done $0x0  }
0x3b: {  	s24 =	rddreg [dreg:$0xb];
	[sflag:s9] =	ssyncadd.s32 $0xFFFFF000  }
0x3c: {  	[tilespmem:s31], [sflag:$0x5] =	stream.strided.gather [hbm4b:s24+s28], $0x1000, s29, s28, $0x38;
	[tilespmem:$0x1A1A8] =	vst v63  }
0x3d: {  	_ =	swait.ge [sflag:s9], $0x1000  }
0x3e: {  	s8 =	simm.s32 @!p1 $0x400;
	s1 =	simm.s32 @!p1 $0x80;
	[sflag:s9] =	ssyncset.done $0x0  }
0x3f: {  	s15 =	rddreg [dreg:$0xd];
	[sflag:s9] =	ssyncadd.s32 $0xFFFFF000;
	s9 =	simm.s32 @!p1 $0x3000  }
0x40: {  	[tilespmem:s9], [sflag:$0x5] =	stream.strided.gather @!p1 [hbm4b:s15+s1], $0x1000, s8, s1, $0x38;
	[tilespmem:$0x1A1A8] =	vst v63  }
.Ltmp2:
0x41: {  	_ = 	snop;
	(pc) =	sbr.rel .LBB2_2-.Ltmp2, $4  }
0x42: {  	s1 =	simm.s32 @!p1 $0x5  }
0x43: {  	_ =	swait.ge @!p1 [sflag:s1], $0x1000  }
0x44: {  	[sflag:s1] =	ssyncset.done @!p1 $0x0  }
0x45: {  	s22 =	simm.s32 $0x0;
	[sflag:s1] =	ssyncadd.s32 @!p1 $0xFFFFF000  }
.LBB2_14:
0x46: {  	s22 =	sadd.s32 $0x1, s22  }
0x47: {  	p2 =	sne.s32 s22, $0x20  }
.Ltmp3:
0x48: {  	_ = 	snop;
	(pc) =	sbr.rel @!p2 .LBB2_15-.Ltmp3, $2  }
0x49: {  	_ =	sdelay $0x1  }
0x4a: {  	[bflag:$0x0] =	sbarrier.arrive $0xFFFF;
	_ =	sdelay $0x1  }
.LBB2_2:
0x4b: {  	s16 =	sadd.s32 s17, s22  }
0x4c: {  	s1 =	sshrl.u32 @!p0 s16, $0x3  }
0x4d: {  	s8 =	sshll.u32 @!p0 s22, $0x7;
	s1 =	smul.u32 @!p0 $0x7A1400, s1  }
0x4e: {  	s8 =	sand.u32 @!p0 $0x380, s8  }
0x4f: {  	s9 =	simm.s32 @!p0 $0x1;
	s15 =	simm.s32 @!p0 $0x10;
	s1 =	sor.u32 @!p0 s8, s1  }
0x50: {  	s24 =	simm.s32 @!p0 $0x80;
	s8 =	rddreg [dreg:$0x2];
	s1 =	sshrl.u32 @!p0 s1, $0x3  }
0x51: {  	s21 =	simm.s32 @!p0 $0x1C05;
	s1 =	sadd.s32 @!p0 s8, s1;
	s8 =	sshrl.u32 @!p0 s7, $0x3  }
0x52: {  	[spmem:s8@s15], [sflag:s21] =	dma.strided @!p0 [hbm:s1@s24], $0x1E850, s9, $0x10   }
0x53: {  	s1 =	simm.s32 @!p0 $0x5  }
0x54: {  	_ =	swait.ge @!p0 [sflag:s1], $0x1E850  }
0x55: {  	[sflag:s1] =	ssyncset.done @!p0 $0x0  }
0x56: {  	[sflag:s1] =	ssyncadd.s32 @!p0 $0xFFFE17B0  }
0x57: {  	s21 =	simm.s32 $0x0;
	s8 =	simm.s32 $0x0;
	[bflag:$0x0] =	sbarrier.arrive $0xFFFF  }
0x58: {  	[tilespmem:s3], [sflag:$0x1] =	stream.indirect.gather [spmem:s7], $0x1, s21, s30, $0xb8;
	[tilespmem:$0x1A1A8] =	vst v63  }
0x59: {  	v1 =	vld [tilespmem:s8+$0x4000];
	_ =	sdelay $0x2  }
0x5a: {  	s24 =	sshll.u32 s16, $0x2  }
0x5b: {  	v0 =	vmov s24  }
0x5c: {  	v1 =	vadd.s32 v0, v1  }
0x5d: {  	v2 =	vld [tilespmem:s8+$0x4010];
	_ =	sdelay $0x3  }
0x5e: {  	v1 =	vld.idx.msk [tilespmem:v1+s23+$0x0], $0xffff  }
0x5f: {  	v2 =	vadd.s32 v0, v2  }
0x60: {  	v3 =	vld [tilespmem:s8+$0x4020];
	_ =	sdelay $0x2  }
0x61: {  	[tilespmem:s8+$0x5D80] =	vst v1  }
0x62: {  	v1 =	vld.idx.msk [tilespmem:v2+s23+$0x0], $0xffff  }
0x63: {  	v2 =	vadd.s32 v0, v3  }
0x64: {  	v3 =	vld [tilespmem:s8+$0x4030];
	_ =	sdelay $0x2  }
0x65: {  	[tilespmem:s8+$0x5D90] =	vst v1  }
0x66: {  	v1 =	vld.idx.msk [tilespmem:v2+s23+$0x0], $0xffff  }
0x67: {  	v2 =	vadd.s32 v0, v3  }
0x68: {  	v3 =	vld [tilespmem:s8+$0x4040];
	_ =	sdelay $0x2  }
0x69: {  	[tilespmem:s8+$0x5DA0] =	vst v1  }
0x6a: {  	v1 =	vld.idx.msk [tilespmem:v2+s23+$0x0], $0xffff  }
0x6b: {  	v2 =	vadd.s32 v0, v3  }
0x6c: {  	v3 =	vld [tilespmem:s8+$0x4050];
	_ =	sdelay $0x2  }
0x6d: {  	[tilespmem:s8+$0x5DB0] =	vst v1  }
0x6e: {  	v1 =	vld.idx.msk [tilespmem:v2+s23+$0x0], $0xffff  }
0x6f: {  	v2 =	vadd.s32 v0, v3  }
0x70: {  	v3 =	vld [tilespmem:s8+$0x4060];
	_ =	sdelay $0x2  }
0x71: {  	[tilespmem:s8+$0x5DC0] =	vst v1  }
0x72: {  	v1 =	vld.idx.msk [tilespmem:v2+s23+$0x0], $0xffff  }
0x73: {  	v2 =	vadd.s32 v0, v3  }
0x74: {  	v3 =	vld [tilespmem:s8+$0x4070];
	_ =	sdelay $0x2  }
0x75: {  	[tilespmem:s8+$0x5DD0] =	vst v1  }
0x76: {  	v1 =	vld.idx.msk [tilespmem:v2+s23+$0x0], $0xffff  }
0x77: {  	v2 =	vadd.s32 v0, v3  }
0x78: {  	s9 =	simm.s32 $0x80;
	s1 =	simm.s32 $0x400  }
.LBB2_3:
0x79: {  	p2 =	sne.s32 s1, $0x3E00;
	v3 =	vld [tilespmem:s9+$0x4000];
	_ =	sdelay $0x1  }
0x7a: {  	[tilespmem:s8+$0x5DE0] =	vst v1  }
0x7b: {  	v1 =	vld.idx.msk [tilespmem:v2+s23+$0x0], $0xffff;
	_ =	sdelay $0x1  }
0x7c: {  	v2 =	vadd.s32 v0, v3;
	_ =	sdelay $0x1  }
0x7d: {  	v3 =	vld [tilespmem:s9+$0x4010];
	_ =	sdelay $0x1  }
0x7e: {  	[tilespmem:s8+$0x5DF0] =	vst v1;
	s8 =	smov.u32 s9  }
0x7f: {  	v1 =	vld.idx.msk [tilespmem:v2+s23+$0x0], $0xffff;
	_ =	sdelay $0x1  }
0x80: {  	v2 =	vadd.s32 v0, v3;
	_ =	sdelay $0x1  }
0x81: {  	v3 =	vld [tilespmem:s8+$0x4020];
	_ =	sdelay $0x1  }
0x82: {  	[tilespmem:s8+$0x5D80] =	vst v1  }
0x83: {  	v1 =	vld.idx.msk [tilespmem:v2+s23+$0x0], $0xffff;
	_ =	sdelay $0x1  }
0x84: {  	v2 =	vadd.s32 v0, v3;
	_ =	sdelay $0x1  }
0x85: {  	v3 =	vld [tilespmem:s8+$0x4030];
	_ =	sdelay $0x1  }
0x86: {  	[tilespmem:s8+$0x5D90] =	vst v1  }
0x87: {  	v1 =	vld.idx.msk [tilespmem:v2+s23+$0x0], $0xffff;
	_ =	sdelay $0x1  }
0x88: {  	v2 =	vadd.s32 v0, v3;
	_ =	sdelay $0x1  }
0x89: {  	v3 =	vld [tilespmem:s8+$0x4040];
	_ =	sdelay $0x1  }
0x8a: {  	[tilespmem:s8+$0x5DA0] =	vst v1  }
0x8b: {  	v1 =	vld.idx.msk [tilespmem:v2+s23+$0x0], $0xffff;
	_ =	sdelay $0x1  }
0x8c: {  	v2 =	vadd.s32 v0, v3;
	_ =	sdelay $0x1  }
0x8d: {  	v3 =	vld [tilespmem:s8+$0x4050];
	_ =	sdelay $0x1  }
0x8e: {  	[tilespmem:s8+$0x5DB0] =	vst v1  }
0x8f: {  	v1 =	vld.idx.msk [tilespmem:v2+s23+$0x0], $0xffff;
	_ =	sdelay $0x1  }
0x90: {  	v2 =	vadd.s32 v0, v3;
	_ =	sdelay $0x1  }
0x91: {  	v3 =	vld [tilespmem:s8+$0x4060];
	_ =	sdelay $0x1  }
0x92: {  	[tilespmem:s8+$0x5DC0] =	vst v1  }
0x93: {  	v1 =	vld.idx.msk [tilespmem:v2+s23+$0x0], $0xffff;
	_ =	sdelay $0x1  }
0x94: {  	v2 =	vadd.s32 v0, v3;
	_ =	sdelay $0x1  }
0x95: {  	v3 =	vld [tilespmem:s8+$0x4070];
	_ =	sdelay $0x1  }
.Ltmp4:
0x96: {  	[tilespmem:s8+$0x5DD0] =	vst v1;
	(pc) =	sbr.rel @p2 .LBB2_3-.Ltmp4, $3  }
0x97: {  	v1 =	vld.idx.msk [tilespmem:v2+s23+$0x0], $0xffff;
	_ =	sdelay $0x1  }
0x98: {  	v2 =	vadd.s32 v0, v3  }
0x99: {  	s9 =	sshra.s32 s1, $0x2;
	s1 =	sadd.s32 $0x200, s1  }
0x9a: {  	v3 =	vld [tilespmem:s9+$0x4000];
	_ =	sdelay $0x2  }
0x9b: {  	[tilespmem:s8+$0x5DE0] =	vst v1  }
0x9c: {  	v1 =	vld.idx.msk [tilespmem:v2+s23+$0x0], $0xffff  }
0x9d: {  	v2 =	vadd.s32 v0, v3  }
0x9e: {  	v3 =	vld [tilespmem:s9+$0x4010];
	_ =	sdelay $0x2  }
0x9f: {  	[tilespmem:s8+$0x5DF0] =	vst v1  }
0xa0: {  	v1 =	vld.idx.msk [tilespmem:v2+s23+$0x0], $0xffff  }
0xa1: {  	v2 =	vadd.s32 v0, v3  }
0xa2: {  	v3 =	vld [tilespmem:s9+$0x4020];
	_ =	sdelay $0x2  }
0xa3: {  	[tilespmem:s9+$0x5D80] =	vst v1  }
0xa4: {  	v1 =	vld.idx.msk [tilespmem:v2+s23+$0x0], $0xffff  }
0xa5: {  	v2 =	vadd.s32 v0, v3  }
0xa6: {  	v3 =	vld [tilespmem:s9+$0x4030];
	_ =	sdelay $0x2  }
0xa7: {  	[tilespmem:s9+$0x5D90] =	vst v1  }
0xa8: {  	v1 =	vld.idx.msk [tilespmem:v2+s23+$0x0], $0xffff  }
0xa9: {  	v2 =	vadd.s32 v0, v3  }
0xaa: {  	v3 =	vld [tilespmem:s9+$0x4040];
	_ =	sdelay $0x2  }
0xab: {  	[tilespmem:s9+$0x5DA0] =	vst v1  }
0xac: {  	v1 =	vld.idx.msk [tilespmem:v2+s23+$0x0], $0xffff  }
0xad: {  	v2 =	vadd.s32 v0, v3  }
0xae: {  	v3 =	vld [tilespmem:s9+$0x4050];
	_ =	sdelay $0x2  }
0xaf: {  	[tilespmem:s9+$0x5DB0] =	vst v1  }
0xb0: {  	v1 =	vld.idx.msk [tilespmem:v2+s23+$0x0], $0xffff  }
0xb1: {  	v2 =	vadd.s32 v0, v3  }
0xb2: {  	v3 =	vld [tilespmem:s9+$0x4060];
	_ =	sdelay $0x2  }
0xb3: {  	[tilespmem:s9+$0x5DC0] =	vst v1  }
0xb4: {  	v1 =	vld.idx.msk [tilespmem:v2+s23+$0x0], $0xffff  }
0xb5: {  	v2 =	vadd.s32 v0, v3  }
0xb6: {  	v3 =	vld [tilespmem:s9+$0x4070];
	_ =	sdelay $0x2  }
0xb7: {  	[tilespmem:s9+$0x5DD0] =	vst v1  }
0xb8: {  	v1 =	vld.idx.msk [tilespmem:v2+s23+$0x0], $0xffff  }
0xb9: {  	v0 =	vadd.s32 v0, v3;
	_ =	sdelay $0x3  }
0xba: {  	[tilespmem:s9+$0x5DE0] =	vst v1  }
0xbb: {  	v0 =	vld.idx.msk [tilespmem:v0+s23+$0x0], $0xffff;
	_ =	sdelay $0x4  }
0xbc: {  	[tilespmem:s9+$0x5DF0] =	vst v0  }
0xbd: {  	_ =	swait.ge [sflag:s0], $0x1000  }
0xbe: {  	p2 =	seq.s32 s22, $0x0;
	s24 =	stileid.u32;
	[sflag:s0] =	ssyncset.done $0x0  }
0xbf: {  	s1 =	simm.s32 @!p2 $0x3;
	s8 =	smul.u32 $0x32, s16;
	[sflag:s0] =	ssyncadd.s32 $0xFFFFF000  }
0xc0: {  	[tilespmem:s2], [sflag:$0x2] =	stream.indirect.gather [spmem:s7], $0x1, s30, s30, $0xb8;
	[tilespmem:$0x1A1A8] =	vst v63  }
0xc1: {  	s9 =	sadd.s32 s24, s8;
	_ =	swait.ge @!p2 [sflag:s1], $0x1000  }
0xc2: {  	v0 =	vmov s9;
	[sflag:s1] =	ssyncset.done @!p2 $0x0  }
0xc3: {  	[sflag:s1] =	ssyncadd.s32 @!p2 $0xFFFFF000;
	s1 =	simm.s32 @!p2 $0x4  }
0xc4: {  	_ =	swait.ge @!p2 [sflag:s1], $0x1000  }
0xc5: {  	[sflag:s1] =	ssyncset.done @!p2 $0x0  }
0xc6: {  	[sflag:s1] =	ssyncadd.s32 @!p2 $0xFFFFF000  }
0xc7: {  	s24 =	simm.s32 $0x0;
	v0 =	vld.idx.msk [tilespmem:v0+s25+$0x0], $0xffff  }
0xc8: {  	v1 =	vld [tilespmem:s24+$0x6DF0]  }
0xc9: {  	v2 =	vld [tilespmem:s24+$0x5DF0]  }
0xca: {  	v3 =	vld [tilespmem:s24+$0x6D80]  }
0xcb: {  	v4 =	vld [tilespmem:s24+$0x5D80]  }
0xcc: {  	v5 =	vld [tilespmem:s24+$0x6D90]  }
0xcd: {  	v6 =	vld [tilespmem:s24+$0x5D90]  }
0xce: {  	v7 =	vld [tilespmem:s24+$0x6DA0];
	[tilespmem:s24+$0x8DF0] =	vst v1;
	v1 =	vadd.f32 v2, v1  }
0xcf: {  	v8 =	vld [tilespmem:s24+$0x5DA0]  }
0xd0: {  	v9 =	vld [tilespmem:s24+$0x6DB0];
	[tilespmem:s24+$0x8D80] =	vst v3;
	v2 =	vadd.f32 v4, v3;
	v1 =	vadd.f32 v1, v0  }
0xd1: {  	v10 =	vld [tilespmem:s24+$0x5DB0];
	[tilespmem:s24+$0x8D90] =	vst v5  }
0xd2: {  	v11 =	vld [tilespmem:s24+$0x6DC0];
	[tilespmem:s24+$0x9DF0] =	vst v1;
	v1 =	vadd.f32 v2, v0;
	v2 =	vadd.f32 v6, v5  }
0xd3: {  	v12 =	vld [tilespmem:s24+$0x5DC0];
	[tilespmem:s24+$0x8DA0] =	vst v7  }
0xd4: {  	v3 =	vadd.f32 v8, v7;
	[tilespmem:s24+$0x9D80] =	vst v1;
	v1 =	vld [tilespmem:s24+$0x6DD0];
	v2 =	vadd.f32 v2, v0  }
0xd5: {  	[tilespmem:s24+$0x8DB0] =	vst v9;
	v4 =	vld [tilespmem:s24+$0x5DD0]  }
0xd6: {  	v7 =	vadd.f32 v10, v9;
	v6 =	vadd.f32 v3, v0;
	[tilespmem:s24+$0x9D90] =	vst v2;
	v2 =	vld [tilespmem:s24+$0x6DE0]  }
0xd7: {  	s1 =	simm.s32 $0x80;
	[tilespmem:s24+$0x8DC0] =	vst v11;
	v5 =	vld [tilespmem:s24+$0x5DE0]  }
0xd8: {  	s9 =	simm.s32 $0x400;
	v7 =	vadd.f32 v7, v0;
	v3 =	vld [tilespmem:s1+$0x6DF0];
	[tilespmem:s24+$0x9DA0] =	vst v6;
	v6 =	vadd.f32 v12, v11  }
.LBB2_5:
0xd9: {  	p2 =	sne.s32 s9, $0x3E00;
	v8 =	vld [tilespmem:s1+$0x5DF0];
	[tilespmem:s24+$0x8DD0] =	vst v1  }
0xda: {  	v9 =	vld [tilespmem:s1+$0x6D80];
	[tilespmem:s24+$0x9DB0] =	vst v7;
	v6 =	vadd.f32 v6, v0;
	v1 =	vadd.f32 v4, v1  }
0xdb: {  	v4 =	vld [tilespmem:s1+$0x5D80];
	[tilespmem:s24+$0x8DE0] =	vst v2  }
0xdc: {  	v7 =	vld [tilespmem:s1+$0x6D90];
	[tilespmem:s24+$0x9DC0] =	vst v6;
	v1 =	vadd.f32 v1, v0;
	v2 =	vadd.f32 v5, v2  }
0xdd: {  	v5 =	vld [tilespmem:s1+$0x5D90];
	[tilespmem:s1+$0x8DF0] =	vst v3  }
0xde: {  	v6 =	vld [tilespmem:s1+$0x6DA0];
	v3 =	vadd.f32 v8, v3;
	[tilespmem:s24+$0x9DD0] =	vst v1;
	v1 =	vadd.f32 v2, v0  }
0xdf: {  	[tilespmem:s1+$0x8D80] =	vst v9;
	v2 =	vld [tilespmem:s1+$0x5DA0]  }
0xe0: {  	v4 =	vadd.f32 v4, v9;
	v8 =	vld [tilespmem:s1+$0x6DB0];
	v3 =	vadd.f32 v3, v0;
	[tilespmem:s24+$0x9DE0] =	vst v1;
	s24 =	smov.u32 s1  }
0xe1: {  	[tilespmem:s24+$0x8D90] =	vst v7;
	v9 =	vld [tilespmem:s24+$0x5DB0]  }
0xe2: {  	v1 =	vadd.f32 v4, v0;
	v4 =	vadd.f32 v5, v7;
	v10 =	vld [tilespmem:s24+$0x6DC0];
	[tilespmem:s24+$0x9DF0] =	vst v3  }
0xe3: {  	[tilespmem:s24+$0x8DA0] =	vst v6;
	v11 =	vld [tilespmem:s24+$0x5DC0]  }
.Ltmp5:
0xe4: {  	[tilespmem:s24+$0x9D80] =	vst v1;
	v3 =	vadd.f32 v4, v0;
	v2 =	vadd.f32 v2, v6;
	v1 =	vld [tilespmem:s24+$0x6DD0];
	(pc) =	sbr.rel @p2 .LBB2_5-.Ltmp5, $4  }
0xe5: {  	[tilespmem:s24+$0x8DB0] =	vst v8;
	v4 =	vld [tilespmem:s24+$0x5DD0]  }
0xe6: {  	[tilespmem:s24+$0x9D90] =	vst v3;
	v6 =	vadd.f32 v2, v0;
	v7 =	vadd.f32 v9, v8;
	v2 =	vld [tilespmem:s24+$0x6DE0]  }
0xe7: {  	s1 =	sshra.s32 s9, $0x2;
	[tilespmem:s24+$0x8DC0] =	vst v10;
	v5 =	vld [tilespmem:s24+$0x5DE0]  }
0xe8: {  	s9 =	sadd.s32 $0x200, s9;
	v3 =	vld [tilespmem:s1+$0x6DF0];
	[tilespmem:s24+$0x9DA0] =	vst v6;
	v7 =	vadd.f32 v7, v0;
	v6 =	vadd.f32 v11, v10  }
0xe9: {  	v8 =	vld [tilespmem:s1+$0x5DF0];
	[tilespmem:s24+$0x8DD0] =	vst v1  }
0xea: {  	v9 =	vld [tilespmem:s1+$0x6D80];
	[tilespmem:s24+$0x9DB0] =	vst v7;
	v6 =	vadd.f32 v6, v0;
	v1 =	vadd.f32 v4, v1  }
0xeb: {  	v7 =	vld [tilespmem:s1+$0x5D80];
	[tilespmem:s24+$0x8DE0] =	vst v2  }
0xec: {  	v10 =	vld [tilespmem:s1+$0x6D90];
	[tilespmem:s24+$0x9DC0] =	vst v6;
	v1 =	vadd.f32 v1, v0;
	v2 =	vadd.f32 v5, v2  }
0xed: {  	v4 =	vld [tilespmem:s1+$0x5D90];
	[tilespmem:s1+$0x8DF0] =	vst v3  }
0xee: {  	v6 =	vld [tilespmem:s1+$0x6DA0];
	[tilespmem:s24+$0x9DD0] =	vst v1;
	v1 =	vadd.f32 v2, v0  }
0xef: {  	v3 =	vadd.f32 v8, v3;
	[tilespmem:s1+$0x8D80] =	vst v9;
	v2 =	vld [tilespmem:s1+$0x5DA0]  }
0xf0: {  	v5 =	vld [tilespmem:s1+$0x6DB0];
	[tilespmem:s24+$0x9DE0] =	vst v1  }
0xf1: {  	v1 =	vadd.f32 v3, v0;
	v7 =	vadd.f32 v7, v9;
	v3 =	vld [tilespmem:s1+$0x5DB0]  }
0xf2: {  	v8 =	vld [tilespmem:s1+$0x6DC0]  }
0xf3: {  	v61 =	vld [tilespmem:s1+$0x5DD0];
	[tilespmem:s1+$0x9DF0] =	vst v1;
	v1 =	vadd.f32 v7, v0;
	v4 =	vadd.f32 v4, v10  }
0xf4: {  	[tilespmem:s1+$0x8D90] =	vst v10;
	v7 =	vld [tilespmem:s1+$0x5DC0]  }
0xf5: {  	[tilespmem:s1+$0x9D80] =	vst v1;
	v1 =	vld [tilespmem:s1+$0x6DD0];
	v4 =	vadd.f32 v4, v0  }
0xf6: {  	[tilespmem:s1+$0x8DA0] =	vst v6;
	v2 =	vadd.f32 v2, v6;
	v6 =	vld [tilespmem:s1+$0x5DE0]  }
0xf7: {  	[tilespmem:s1+$0x9D90] =	vst v4;
	v4 =	vld [tilespmem:s1+$0x6DE0]  }
0xf8: {  	[tilespmem:s1+$0x8DB0] =	vst v5;
	v2 =	vadd.f32 v2, v0;
	v3 =	vadd.f32 v3, v5  }
0xf9: {  	[tilespmem:s1+$0x8DC0] =	vst v8  }
0xfa: {  	[tilespmem:s1+$0x9DA0] =	vst v2;
	v2 =	vadd.f32 v3, v0;
	v3 =	vadd.f32 v7, v8  }
0xfb: {  	s9 =	sshll.u32 s16, $0xC;
	[tilespmem:s1+$0x8DD0] =	vst v1;
	v1 =	vadd.f32 v61, v1  }
0xfc: {  	s16 =	sand.u32 $0x38000, s9;
	s24 =	sshll.u32 s22, $0x7;
	[tilespmem:s1+$0x9DB0] =	vst v2;
	v2 =	vadd.f32 v3, v0;
	v3 =	vadd.f32 v6, v4  }
0xfd: {  	s15 =	sor.u32 s18, s16;
	s24 =	sand.u32 $0x380, s24;
	[tilespmem:s1+$0x8DE0] =	vst v4;
	v1 =	vadd.f32 v1, v0  }
0xfe: {  	s9 =	sor.u32 s24, s15;
	[tilespmem:s1+$0x9DC0] =	vst v2;
	v0 =	vadd.f32 v3, v0  }
0xff: {  	s9 =	sshrl.u32 s9, $0x3;
	[tilespmem:s1+$0x9DD0] =	vst v1  }
0x100: {  	s21 =	sadd.s32 s6, s9;
	[tilespmem:s1+$0x9DE0] =	vst v0  }
0x101: {  	[hbm4b:s21+s28] =	stream.strided.scatter [tilespmem:s4], [sflag:$0x3], $0x1000, s29, s28, $0x38;
	[tilespmem:$0x1A1A8] =	vst v63  }
0x102: {  	s15 =	sadd.s32 s5, s9  }
0x103: {  	[hbm4b:s15+s28] =	stream.strided.scatter [tilespmem:s26], [sflag:$0x4], $0x1000, s29, s28, $0x38;
	[tilespmem:$0x1A1A8] =	vst v63  }
0x104: {  	_ =	swait.ge [sflag:s12], $0x1000  }
0x105: {  	[sflag:s12] =	ssyncset.done $0x0  }
0x106: {  	[sflag:s12] =	ssyncadd.s32 $0xFFFFF000  }
0x107: {  	[tilespmem:s3], [sflag:$0x1] =	stream.indirect.gather [spmem:s7], $0x1, s31, s30, $0xb8;
	[tilespmem:$0x1A1A8] =	vst v63  }
0x108: {  	s21 =	sadd.s32 s10, s8;
	_ =	swait.ge [sflag:s13], $0x1000  }
0x109: {  	v0 =	vmov s21;
	[sflag:s13] =	ssyncset.done $0x0  }
0x10a: {  	[sflag:s13] =	ssyncadd.s32 $0xFFFFF000  }
0x10b: {  	_ =	swait.ge [sflag:s14], $0x1000  }
0x10c: {  	[sflag:s14] =	ssyncset.done $0x0  }
0x10d: {  	[sflag:s14] =	ssyncadd.s32 $0xFFFFF000  }
0x10e: {  	s1 =	simm.s32 $0x0;
	v0 =	vld.idx.msk [tilespmem:v0+s25+$0x0], $0xffff  }
0x10f: {  	v1 =	vld [tilespmem:s1+$0x7DF0]  }
0x110: {  	v2 =	vld [tilespmem:s1+$0x5DF0]  }
0x111: {  	v3 =	vld [tilespmem:s1+$0x7D80]  }
0x112: {  	v4 =	vld [tilespmem:s1+$0x5D80]  }
0x113: {  	v5 =	vld [tilespmem:s1+$0x7D90]  }
0x114: {  	v6 =	vld [tilespmem:s1+$0x5D90]  }
0x115: {  	v7 =	vld [tilespmem:s1+$0x7DA0];
	[tilespmem:s1+$0x8DF0] =	vst v1;
	v1 =	vadd.f32 v2, v1  }
0x116: {  	v8 =	vld [tilespmem:s1+$0x5DA0]  }
0x117: {  	v62 =	vld [tilespmem:s1+$0x7DB0];
	[tilespmem:s1+$0x8D80] =	vst v3;
	v2 =	vadd.f32 v4, v3;
	v1 =	vadd.f32 v1, v0  }
0x118: {  	v63 =	vld [tilespmem:s1+$0x5DB0];
	[tilespmem:s1+$0x8D90] =	vst v5  }
0x119: {  	v11 =	vld [tilespmem:s1+$0x7DC0];
	[tilespmem:s1+$0x9DF0] =	vst v1;
	v1 =	vadd.f32 v2, v0;
	v2 =	vadd.f32 v6, v5  }
0x11a: {  	v12 =	vld [tilespmem:s1+$0x5DC0];
	[tilespmem:s1+$0x8DA0] =	vst v7  }
0x11b: {  	v3 =	vadd.f32 v8, v7;
	[tilespmem:s1+$0x9D80] =	vst v1;
	v1 =	vld [tilespmem:s1+$0x7DD0];
	v2 =	vadd.f32 v2, v0  }
0x11c: {  	[tilespmem:s1+$0x8DB0] =	vst v62;
	v4 =	vld [tilespmem:s1+$0x5DD0]  }
0x11d: {  	v7 =	vadd.f32 v63, v62;
	v6 =	vadd.f32 v3, v0;
	[tilespmem:s1+$0x9D90] =	vst v2;
	v2 =	vld [tilespmem:s1+$0x7DE0]  }
0x11e: {  	s9 =	simm.s32 $0x80;
	[tilespmem:s1+$0x8DC0] =	vst v11;
	v5 =	vld [tilespmem:s1+$0x5DE0]  }
0x11f: {  	s15 =	simm.s32 $0x400;
	v7 =	vadd.f32 v7, v0;
	v3 =	vld [tilespmem:s9+$0x7DF0];
	[tilespmem:s1+$0x9DA0] =	vst v6;
	v6 =	vadd.f32 v12, v11  }
.LBB2_7:
0x120: {  	p2 =	sne.s32 s15, $0x3E00;
	v8 =	vld [tilespmem:s9+$0x5DF0];
	[tilespmem:s1+$0x8DD0] =	vst v1  }
0x121: {  	v9 =	vld [tilespmem:s9+$0x7D80];
	[tilespmem:s1+$0x9DB0] =	vst v7;
	v6 =	vadd.f32 v6, v0;
	v1 =	vadd.f32 v4, v1  }
0x122: {  	v4 =	vld [tilespmem:s9+$0x5D80];
	[tilespmem:s1+$0x8DE0] =	vst v2  }
0x123: {  	v7 =	vld [tilespmem:s9+$0x7D90];
	[tilespmem:s1+$0x9DC0] =	vst v6;
	v1 =	vadd.f32 v1, v0;
	v2 =	vadd.f32 v5, v2  }
0x124: {  	v5 =	vld [tilespmem:s9+$0x5D90];
	[tilespmem:s9+$0x8DF0] =	vst v3  }
0x125: {  	v6 =	vld [tilespmem:s9+$0x7DA0];
	v3 =	vadd.f32 v8, v3;
	[tilespmem:s1+$0x9DD0] =	vst v1;
	v1 =	vadd.f32 v2, v0  }
0x126: {  	[tilespmem:s9+$0x8D80] =	vst v9;
	v2 =	vld [tilespmem:s9+$0x5DA0]  }
0x127: {  	v4 =	vadd.f32 v4, v9;
	v8 =	vld [tilespmem:s9+$0x7DB0];
	v3 =	vadd.f32 v3, v0;
	[tilespmem:s1+$0x9DE0] =	vst v1;
	s1 =	smov.u32 s9  }
0x128: {  	[tilespmem:s1+$0x8D90] =	vst v7;
	v9 =	vld [tilespmem:s1+$0x5DB0]  }
0x129: {  	v1 =	vadd.f32 v4, v0;
	v4 =	vadd.f32 v5, v7;
	v10 =	vld [tilespmem:s1+$0x7DC0];
	[tilespmem:s1+$0x9DF0] =	vst v3  }
0x12a: {  	[tilespmem:s1+$0x8DA0] =	vst v6;
	v11 =	vld [tilespmem:s1+$0x5DC0]  }
.Ltmp6:
0x12b: {  	[tilespmem:s1+$0x9D80] =	vst v1;
	v3 =	vadd.f32 v4, v0;
	v2 =	vadd.f32 v2, v6;
	v1 =	vld [tilespmem:s1+$0x7DD0];
	(pc) =	sbr.rel @p2 .LBB2_7-.Ltmp6, $4  }
0x12c: {  	[tilespmem:s1+$0x8DB0] =	vst v8;
	v4 =	vld [tilespmem:s1+$0x5DD0]  }
0x12d: {  	[tilespmem:s1+$0x9D90] =	vst v3;
	v6 =	vadd.f32 v2, v0;
	v7 =	vadd.f32 v9, v8;
	v2 =	vld [tilespmem:s1+$0x7DE0]  }
0x12e: {  	s9 =	sshra.s32 s15, $0x2;
	[tilespmem:s1+$0x8DC0] =	vst v10;
	v5 =	vld [tilespmem:s1+$0x5DE0]  }
0x12f: {  	s15 =	sadd.s32 $0x200, s15;
	v3 =	vld [tilespmem:s9+$0x7DF0];
	[tilespmem:s1+$0x9DA0] =	vst v6;
	v7 =	vadd.f32 v7, v0;
	v6 =	vadd.f32 v11, v10  }
0x130: {  	v8 =	vld [tilespmem:s9+$0x5DF0];
	[tilespmem:s1+$0x8DD0] =	vst v1  }
0x131: {  	v9 =	vld [tilespmem:s9+$0x7D80];
	[tilespmem:s1+$0x9DB0] =	vst v7;
	v6 =	vadd.f32 v6, v0;
	v1 =	vadd.f32 v4, v1  }
0x132: {  	v7 =	vld [tilespmem:s9+$0x5D80];
	[tilespmem:s1+$0x8DE0] =	vst v2  }
0x133: {  	v10 =	vld [tilespmem:s9+$0x7D90];
	[tilespmem:s1+$0x9DC0] =	vst v6;
	v1 =	vadd.f32 v1, v0;
	v2 =	vadd.f32 v5, v2  }
0x134: {  	v4 =	vld [tilespmem:s9+$0x5D90];
	[tilespmem:s9+$0x8DF0] =	vst v3  }
0x135: {  	v6 =	vld [tilespmem:s9+$0x7DA0];
	[tilespmem:s1+$0x9DD0] =	vst v1;
	v1 =	vadd.f32 v2, v0  }
0x136: {  	v3 =	vadd.f32 v8, v3;
	[tilespmem:s9+$0x8D80] =	vst v9;
	v2 =	vld [tilespmem:s9+$0x5DA0]  }
0x137: {  	v5 =	vld [tilespmem:s9+$0x7DB0];
	[tilespmem:s1+$0x9DE0] =	vst v1  }
0x138: {  	v1 =	vadd.f32 v3, v0;
	v7 =	vadd.f32 v7, v9;
	v3 =	vld [tilespmem:s9+$0x5DB0]  }
0x139: {  	v8 =	vld [tilespmem:s9+$0x7DC0]  }
0x13a: {  	v61 =	vld [tilespmem:s9+$0x5DD0];
	[tilespmem:s9+$0x9DF0] =	vst v1;
	v1 =	vadd.f32 v7, v0;
	v4 =	vadd.f32 v4, v10  }
0x13b: {  	[tilespmem:s9+$0x8D90] =	vst v10;
	v7 =	vld [tilespmem:s9+$0x5DC0]  }
0x13c: {  	[tilespmem:s9+$0x9D80] =	vst v1;
	v1 =	vld [tilespmem:s9+$0x7DD0];
	v4 =	vadd.f32 v4, v0  }
0x13d: {  	[tilespmem:s9+$0x8DA0] =	vst v6;
	v2 =	vadd.f32 v2, v6;
	v6 =	vld [tilespmem:s9+$0x5DE0]  }
0x13e: {  	[tilespmem:s9+$0x9D90] =	vst v4;
	v4 =	vld [tilespmem:s9+$0x7DE0]  }
0x13f: {  	[tilespmem:s9+$0x8DB0] =	vst v5;
	v2 =	vadd.f32 v2, v0;
	v3 =	vadd.f32 v3, v5  }
0x140: {  	[tilespmem:s9+$0x8DC0] =	vst v8  }
0x141: {  	[tilespmem:s9+$0x9DA0] =	vst v2;
	v2 =	vadd.f32 v3, v0;
	v3 =	vadd.f32 v7, v8  }
0x142: {  	[tilespmem:s9+$0x8DD0] =	vst v1;
	v1 =	vadd.f32 v61, v1  }
0x143: {  	[tilespmem:s9+$0x9DB0] =	vst v2;
	v2 =	vadd.f32 v3, v0;
	v3 =	vadd.f32 v6, v4  }
0x144: {  	s21 =	sor.u32 s19, s16;
	[tilespmem:s9+$0x8DE0] =	vst v4;
	v1 =	vadd.f32 v1, v0  }
0x145: {  	s1 =	sor.u32 s24, s21;
	[tilespmem:s9+$0x9DC0] =	vst v2;
	v0 =	vadd.f32 v3, v0  }
0x146: {  	s1 =	sshrl.u32 s1, $0x3;
	[tilespmem:s9+$0x9DD0] =	vst v1  }
0x147: {  	s15 =	sadd.s32 s6, s1;
	[tilespmem:s9+$0x9DE0] =	vst v0  }
0x148: {  	[hbm4b:s15+s28] =	stream.strided.scatter [tilespmem:s4], [sflag:$0x3], $0x1000, s29, s28, $0x38;
	[tilespmem:$0x1A1A8] =	vst v63  }
0x149: {  	s1 =	sadd.s32 s5, s1  }
0x14a: {  	[hbm4b:s1+s28] =	stream.strided.scatter [tilespmem:s26], [sflag:$0x4], $0x1000, s29, s28, $0x38;
	[tilespmem:$0x1A1A8] =	vst v63  }
0x14b: {  	_ =	swait.ge [sflag:s0], $0x1000  }
0x14c: {  	s9 =	simm.s32 @!p1 $0x3000;
	[sflag:s0] =	ssyncset.done $0x0  }
0x14d: {  	s15 =	simm.s32 @!p1 $0x7D80;
	s1 =	simm.s32 @!p1 $0x1000;
	[sflag:s0] =	ssyncadd.s32 $0xFFFFF000  }
0x14e: {  	[tilespmem:s15], [sflag:$0x2] =	stream.indirect.gather @!p1 [spmem:s7], $0x1, s9, s1, $0xb8;
	[tilespmem:$0x1A1A8] =	vst v63  }
0x14f: {  	s21 =	sadd.s32 s11, s8;
	_ =	swait.ge [sflag:s13], $0x1000  }
0x150: {  	v0 =	vmov s21;
	[sflag:s13] =	ssyncset.done $0x0  }
0x151: {  	[sflag:s13] =	ssyncadd.s32 $0xFFFFF000  }
0x152: {  	_ =	swait.ge [sflag:s14], $0x1000  }
0x153: {  	[sflag:s14] =	ssyncset.done $0x0  }
0x154: {  	[sflag:s14] =	ssyncadd.s32 $0xFFFFF000  }
0x155: {  	s1 =	simm.s32 $0x0;
	v0 =	vld.idx.msk [tilespmem:v0+s25+$0x0], $0xffff  }
0x156: {  	v1 =	vld [tilespmem:s1+$0x6DF0]  }
0x157: {  	v2 =	vld [tilespmem:s1+$0x5DF0]  }
0x158: {  	v3 =	vld [tilespmem:s1+$0x6D80]  }
0x159: {  	v4 =	vld [tilespmem:s1+$0x5D80]  }
0x15a: {  	v5 =	vld [tilespmem:s1+$0x6D90]  }
0x15b: {  	v6 =	vld [tilespmem:s1+$0x5D90]  }
0x15c: {  	v7 =	vld [tilespmem:s1+$0x6DA0];
	[tilespmem:s1+$0x8DF0] =	vst v1;
	v1 =	vadd.f32 v2, v1  }
0x15d: {  	v8 =	vld [tilespmem:s1+$0x5DA0]  }
0x15e: {  	v62 =	vld [tilespmem:s1+$0x6DB0];
	[tilespmem:s1+$0x8D80] =	vst v3;
	v2 =	vadd.f32 v4, v3;
	v1 =	vadd.f32 v1, v0  }
0x15f: {  	v63 =	vld [tilespmem:s1+$0x5DB0];
	[tilespmem:s1+$0x8D90] =	vst v5  }
0x160: {  	v11 =	vld [tilespmem:s1+$0x6DC0];
	[tilespmem:s1+$0x9DF0] =	vst v1;
	v1 =	vadd.f32 v2, v0;
	v2 =	vadd.f32 v6, v5  }
0x161: {  	v12 =	vld [tilespmem:s1+$0x5DC0];
	[tilespmem:s1+$0x8DA0] =	vst v7  }
0x162: {  	v3 =	vadd.f32 v8, v7;
	[tilespmem:s1+$0x9D80] =	vst v1;
	v1 =	vld [tilespmem:s1+$0x6DD0];
	v2 =	vadd.f32 v2, v0  }
0x163: {  	[tilespmem:s1+$0x8DB0] =	vst v62;
	v4 =	vld [tilespmem:s1+$0x5DD0]  }
0x164: {  	v7 =	vadd.f32 v63, v62;
	v6 =	vadd.f32 v3, v0;
	[tilespmem:s1+$0x9D90] =	vst v2;
	v2 =	vld [tilespmem:s1+$0x6DE0]  }
0x165: {  	s9 =	simm.s32 $0x80;
	[tilespmem:s1+$0x8DC0] =	vst v11;
	v5 =	vld [tilespmem:s1+$0x5DE0]  }
0x166: {  	s15 =	simm.s32 $0x400;
	v7 =	vadd.f32 v7, v0;
	v3 =	vld [tilespmem:s9+$0x6DF0];
	[tilespmem:s1+$0x9DA0] =	vst v6;
	v6 =	vadd.f32 v12, v11  }
.LBB2_9:
0x167: {  	p2 =	sne.s32 s15, $0x3E00;
	v8 =	vld [tilespmem:s9+$0x5DF0];
	[tilespmem:s1+$0x8DD0] =	vst v1  }
0x168: {  	v9 =	vld [tilespmem:s9+$0x6D80];
	[tilespmem:s1+$0x9DB0] =	vst v7;
	v6 =	vadd.f32 v6, v0;
	v1 =	vadd.f32 v4, v1  }
0x169: {  	v4 =	vld [tilespmem:s9+$0x5D80];
	[tilespmem:s1+$0x8DE0] =	vst v2  }
0x16a: {  	v7 =	vld [tilespmem:s9+$0x6D90];
	[tilespmem:s1+$0x9DC0] =	vst v6;
	v1 =	vadd.f32 v1, v0;
	v2 =	vadd.f32 v5, v2  }
0x16b: {  	v5 =	vld [tilespmem:s9+$0x5D90];
	[tilespmem:s9+$0x8DF0] =	vst v3  }
0x16c: {  	v6 =	vld [tilespmem:s9+$0x6DA0];
	v3 =	vadd.f32 v8, v3;
	[tilespmem:s1+$0x9DD0] =	vst v1;
	v1 =	vadd.f32 v2, v0  }
0x16d: {  	[tilespmem:s9+$0x8D80] =	vst v9;
	v2 =	vld [tilespmem:s9+$0x5DA0]  }
0x16e: {  	v4 =	vadd.f32 v4, v9;
	v8 =	vld [tilespmem:s9+$0x6DB0];
	v3 =	vadd.f32 v3, v0;
	[tilespmem:s1+$0x9DE0] =	vst v1;
	s1 =	smov.u32 s9  }
0x16f: {  	[tilespmem:s1+$0x8D90] =	vst v7;
	v9 =	vld [tilespmem:s1+$0x5DB0]  }
0x170: {  	v1 =	vadd.f32 v4, v0;
	v4 =	vadd.f32 v5, v7;
	v10 =	vld [tilespmem:s1+$0x6DC0];
	[tilespmem:s1+$0x9DF0] =	vst v3  }
0x171: {  	[tilespmem:s1+$0x8DA0] =	vst v6;
	v11 =	vld [tilespmem:s1+$0x5DC0]  }
.Ltmp7:
0x172: {  	[tilespmem:s1+$0x9D80] =	vst v1;
	v3 =	vadd.f32 v4, v0;
	v2 =	vadd.f32 v2, v6;
	v1 =	vld [tilespmem:s1+$0x6DD0];
	(pc) =	sbr.rel @p2 .LBB2_9-.Ltmp7, $4  }
0x173: {  	[tilespmem:s1+$0x8DB0] =	vst v8;
	v4 =	vld [tilespmem:s1+$0x5DD0]  }
0x174: {  	[tilespmem:s1+$0x9D90] =	vst v3;
	v6 =	vadd.f32 v2, v0;
	v7 =	vadd.f32 v9, v8;
	v2 =	vld [tilespmem:s1+$0x6DE0]  }
0x175: {  	s9 =	sshra.s32 s15, $0x2;
	[tilespmem:s1+$0x8DC0] =	vst v10;
	v5 =	vld [tilespmem:s1+$0x5DE0]  }
0x176: {  	s15 =	sadd.s32 $0x200, s15;
	v3 =	vld [tilespmem:s9+$0x6DF0];
	[tilespmem:s1+$0x9DA0] =	vst v6;
	v7 =	vadd.f32 v7, v0;
	v6 =	vadd.f32 v11, v10  }
0x177: {  	v8 =	vld [tilespmem:s9+$0x5DF0];
	[tilespmem:s1+$0x8DD0] =	vst v1  }
0x178: {  	v9 =	vld [tilespmem:s9+$0x6D80];
	[tilespmem:s1+$0x9DB0] =	vst v7;
	v6 =	vadd.f32 v6, v0;
	v43 =	vadd.f32 v4, v1  }
0x179: {  	v7 =	vld [tilespmem:s9+$0x5D80];
	[tilespmem:s1+$0x8DE0] =	vst v2  }
0x17a: {  	v10 =	vld [tilespmem:s9+$0x6D90];
	[tilespmem:s1+$0x9DC0] =	vst v6;
	v1 =	vadd.f32 v43, v0;
	v45 =	vadd.f32 v5, v2  }
0x17b: {  	v44 =	vld [tilespmem:s9+$0x5D90];
	[tilespmem:s9+$0x8DF0] =	vst v3  }
0x17c: {  	v6 =	vld [tilespmem:s9+$0x6DA0];
	[tilespmem:s1+$0x9DD0] =	vst v1;
	v46 =	vadd.f32 v45, v0  }
0x17d: {  	[tilespmem:s9+$0x8D80] =	vst v9;
	v47 =	vld [tilespmem:s9+$0x5DA0]  }
0x17e: {  	v49 =	vadd.f32 v8, v3;
	v48 =	vld [tilespmem:s9+$0x6DB0];
	[tilespmem:s1+$0x9DE0] =	vst v46  }
0x17f: {  	v51 =	vld [tilespmem:s9+$0x5DB0]  }
0x180: {  	v50 =	vadd.f32 v49, v0;
	v7 =	vadd.f32 v7, v9;
	v52 =	vld [tilespmem:s9+$0x6DC0]  }
0x181: {  	[tilespmem:s9+$0x8D90] =	vst v10;
	v54 =	vld [tilespmem:s9+$0x5DC0]  }
0x182: {  	v55 =	vld [tilespmem:s9+$0x6DD0];
	[tilespmem:s9+$0x9DF0] =	vst v50;
	v53 =	vadd.f32 v7, v0;
	v4 =	vadd.f32 v44, v10  }
0x183: {  	v56 =	vld [tilespmem:s9+$0x5DD0];
	[tilespmem:s9+$0x8DA0] =	vst v6  }
0x184: {  	v57 =	vld [tilespmem:s9+$0x6DE0];
	[tilespmem:s9+$0x9D80] =	vst v53;
	v4 =	vadd.f32 v4, v0  }
0x185: {  	v58 =	vld [tilespmem:s9+$0x5DE0];
	[tilespmem:s9+$0x8DB0] =	vst v48  }
0x186: {  	v2 =	vadd.f32 v47, v6;
	[tilespmem:s9+$0x9D90] =	vst v4  }
0x187: {  	[tilespmem:s9+$0x8DC0] =	vst v52;
	v3 =	vadd.f32 v51, v48  }
0x188: {  	v2 =	vadd.f32 v2, v0;
	v60 =	vadd.f32 v54, v52;
	[tilespmem:s9+$0x8DD0] =	vst v55  }
0x189: {  	v1 =	vadd.f32 v56, v55;
	[tilespmem:s9+$0x8DE0] =	vst v57;
	v59 =	vadd.f32 v3, v0  }
0x18a: {  	v62 =	vadd.f32 v58, v57;
	[tilespmem:s9+$0x9DA0] =	vst v2;
	v61 =	vadd.f32 v60, v0  }
0x18b: {  	s15 =	sor.u32 s20, s16;
	v1 =	vadd.f32 v1, v0;
	[tilespmem:s9+$0x9DB0] =	vst v59  }
0x18c: {  	s1 =	sor.u32 s24, s15;
	v63 =	vadd.f32 v62, v0;
	[tilespmem:s9+$0x9DC0] =	vst v61  }
.Ltmp8:
0x18d: {  	s1 =	sshrl.u32 s1, $0x3;
	[tilespmem:s9+$0x9DD0] =	vst v1;
	(pc) =	sbr.rel @p1 .LBB2_14-.Ltmp8, $4  }
0x18e: {  	s21 =	sadd.s32 s6, s1;
	[tilespmem:s9+$0x9DE0] =	vst v63  }
0x18f: {  	[hbm4b:s21+s28] =	stream.strided.scatter [tilespmem:s4], [sflag:$0x3], $0x1000, s29, s28, $0x38;
	[tilespmem:$0x1A1A8] =	vst v63  }
0x190: {  	s1 =	sadd.s32 s5, s1  }
0x191: {  	[hbm4b:s1+s28] =	stream.strided.scatter [tilespmem:s26], [sflag:$0x4], $0x1000, s29, s28, $0x38;
	[tilespmem:$0x1A1A8] =	vst v63  }
0x192: {  	_ =	swait.ge [sflag:s12], $0x1000  }
0x193: {  	[sflag:s12] =	ssyncset.done $0x0  }
0x194: {  	[sflag:s12] =	ssyncadd.s32 $0xFFFFF000  }
0x195: {  	_ =	swait.ge [sflag:s13], $0x1000  }
0x196: {  	[sflag:s13] =	ssyncset.done $0x0  }
0x197: {  	[sflag:s13] =	ssyncadd.s32 $0xFFFFF000  }
0x198: {  	s1 =	rddreg [dreg:$0xc];
	_ =	swait.ge [sflag:s14], $0x1000  }
0x199: {  	s1 =	sadd.s32 s1, s8;
	[sflag:s14] =	ssyncset.done $0x0  }
0x19a: {  	v0 =	vmov s1;
	s1 =	simm.s32 $0x0;
	[sflag:s14] =	ssyncadd.s32 $0xFFFFF000  }
0x19b: {  	v1 =	vld [tilespmem:s1+$0x7DF0]  }
0x19c: {  	v2 =	vld [tilespmem:s1+$0x5DF0]  }
0x19d: {  	v3 =	vld [tilespmem:s1+$0x7D80]  }
0x19e: {  	v4 =	vld [tilespmem:s1+$0x5D80]  }
0x19f: {  	v0 =	vld.idx.msk [tilespmem:v0+s25+$0x0], $0xffff  }
0x1a0: {  	v5 =	vld [tilespmem:s1+$0x7D90]  }
0x1a1: {  	v6 =	vld [tilespmem:s1+$0x5D90]  }
0x1a2: {  	v7 =	vld [tilespmem:s1+$0x7DA0];
	[tilespmem:s1+$0x8DF0] =	vst v1;
	v1 =	vadd.f32 v2, v1  }
0x1a3: {  	v8 =	vld [tilespmem:s1+$0x5DA0]  }
0x1a4: {  	v9 =	vld [tilespmem:s1+$0x7DB0];
	[tilespmem:s1+$0x8D80] =	vst v3;
	v2 =	vadd.f32 v4, v3;
	v1 =	vadd.f32 v1, v0  }
0x1a5: {  	v10 =	vld [tilespmem:s1+$0x5DB0];
	[tilespmem:s1+$0x8D90] =	vst v5  }
0x1a6: {  	v11 =	vld [tilespmem:s1+$0x7DC0];
	[tilespmem:s1+$0x9DF0] =	vst v1;
	v1 =	vadd.f32 v2, v0;
	v2 =	vadd.f32 v6, v5  }
0x1a7: {  	v12 =	vld [tilespmem:s1+$0x5DC0];
	[tilespmem:s1+$0x8DA0] =	vst v7  }
0x1a8: {  	v3 =	vadd.f32 v8, v7;
	[tilespmem:s1+$0x9D80] =	vst v1;
	v1 =	vld [tilespmem:s1+$0x7DD0];
	v2 =	vadd.f32 v2, v0  }
0x1a9: {  	[tilespmem:s1+$0x8DB0] =	vst v9;
	v4 =	vld [tilespmem:s1+$0x5DD0]  }
0x1aa: {  	v7 =	vadd.f32 v10, v9;
	v6 =	vadd.f32 v3, v0;
	[tilespmem:s1+$0x9D90] =	vst v2;
	v2 =	vld [tilespmem:s1+$0x7DE0]  }
0x1ab: {  	s8 =	simm.s32 $0x80;
	[tilespmem:s1+$0x8DC0] =	vst v11;
	v5 =	vld [tilespmem:s1+$0x5DE0]  }
0x1ac: {  	s9 =	simm.s32 $0x400;
	v7 =	vadd.f32 v7, v0;
	v3 =	vld [tilespmem:s8+$0x7DF0];
	[tilespmem:s1+$0x9DA0] =	vst v6;
	v6 =	vadd.f32 v12, v11  }
.LBB2_12:
0x1ad: {  	p2 =	sne.s32 s9, $0x3E00;
	v8 =	vld [tilespmem:s8+$0x5DF0];
	[tilespmem:s1+$0x8DD0] =	vst v1  }
0x1ae: {  	v9 =	vld [tilespmem:s8+$0x7D80];
	[tilespmem:s1+$0x9DB0] =	vst v7;
	v6 =	vadd.f32 v6, v0;
	v1 =	vadd.f32 v4, v1  }
0x1af: {  	v4 =	vld [tilespmem:s8+$0x5D80];
	[tilespmem:s1+$0x8DE0] =	vst v2  }
0x1b0: {  	v7 =	vld [tilespmem:s8+$0x7D90];
	[tilespmem:s1+$0x9DC0] =	vst v6;
	v1 =	vadd.f32 v1, v0;
	v2 =	vadd.f32 v5, v2  }
0x1b1: {  	v5 =	vld [tilespmem:s8+$0x5D90];
	[tilespmem:s8+$0x8DF0] =	vst v3  }
0x1b2: {  	v6 =	vld [tilespmem:s8+$0x7DA0];
	v3 =	vadd.f32 v8, v3;
	[tilespmem:s1+$0x9DD0] =	vst v1;
	v1 =	vadd.f32 v2, v0  }
0x1b3: {  	[tilespmem:s8+$0x8D80] =	vst v9;
	v2 =	vld [tilespmem:s8+$0x5DA0]  }
0x1b4: {  	v4 =	vadd.f32 v4, v9;
	v8 =	vld [tilespmem:s8+$0x7DB0];
	v3 =	vadd.f32 v3, v0;
	[tilespmem:s1+$0x9DE0] =	vst v1;
	s1 =	smov.u32 s8  }
0x1b5: {  	[tilespmem:s1+$0x8D90] =	vst v7;
	v9 =	vld [tilespmem:s1+$0x5DB0]  }
0x1b6: {  	v1 =	vadd.f32 v4, v0;
	v4 =	vadd.f32 v5, v7;
	v10 =	vld [tilespmem:s1+$0x7DC0];
	[tilespmem:s1+$0x9DF0] =	vst v3  }
0x1b7: {  	[tilespmem:s1+$0x8DA0] =	vst v6;
	v11 =	vld [tilespmem:s1+$0x5DC0]  }
.Ltmp9:
0x1b8: {  	[tilespmem:s1+$0x9D80] =	vst v1;
	v3 =	vadd.f32 v4, v0;
	v2 =	vadd.f32 v2, v6;
	v1 =	vld [tilespmem:s1+$0x7DD0];
	(pc) =	sbr.rel @p2 .LBB2_12-.Ltmp9, $4  }
0x1b9: {  	[tilespmem:s1+$0x8DB0] =	vst v8;
	v4 =	vld [tilespmem:s1+$0x5DD0]  }
0x1ba: {  	[tilespmem:s1+$0x9D90] =	vst v3;
	v6 =	vadd.f32 v2, v0;
	v7 =	vadd.f32 v9, v8;
	v2 =	vld [tilespmem:s1+$0x7DE0]  }
0x1bb: {  	s8 =	sshra.s32 s9, $0x2;
	[tilespmem:s1+$0x8DC0] =	vst v10;
	v5 =	vld [tilespmem:s1+$0x5DE0]  }
0x1bc: {  	s9 =	sadd.s32 $0x200, s9;
	v3 =	vld [tilespmem:s8+$0x7DF0];
	[tilespmem:s1+$0x9DA0] =	vst v6;
	v7 =	vadd.f32 v7, v0;
	v6 =	vadd.f32 v11, v10  }
0x1bd: {  	v8 =	vld [tilespmem:s8+$0x5DF0];
	[tilespmem:s1+$0x8DD0] =	vst v1  }
0x1be: {  	v9 =	vld [tilespmem:s8+$0x7D80];
	[tilespmem:s1+$0x9DB0] =	vst v7;
	v6 =	vadd.f32 v6, v0;
	v43 =	vadd.f32 v4, v1  }
0x1bf: {  	v7 =	vld [tilespmem:s8+$0x5D80];
	[tilespmem:s1+$0x8DE0] =	vst v2  }
0x1c0: {  	v10 =	vld [tilespmem:s8+$0x7D90];
	[tilespmem:s1+$0x9DC0] =	vst v6;
	v1 =	vadd.f32 v43, v0;
	v45 =	vadd.f32 v5, v2  }
0x1c1: {  	v44 =	vld [tilespmem:s8+$0x5D90];
	[tilespmem:s8+$0x8DF0] =	vst v3  }
0x1c2: {  	v6 =	vld [tilespmem:s8+$0x7DA0];
	[tilespmem:s1+$0x9DD0] =	vst v1;
	v46 =	vadd.f32 v45, v0  }
0x1c3: {  	[tilespmem:s8+$0x8D80] =	vst v9;
	v47 =	vld [tilespmem:s8+$0x5DA0]  }
0x1c4: {  	v49 =	vadd.f32 v8, v3;
	v48 =	vld [tilespmem:s8+$0x7DB0];
	[tilespmem:s1+$0x9DE0] =	vst v46  }
0x1c5: {  	v51 =	vld [tilespmem:s8+$0x5DB0]  }
0x1c6: {  	v50 =	vadd.f32 v49, v0;
	v7 =	vadd.f32 v7, v9;
	v52 =	vld [tilespmem:s8+$0x7DC0]  }
0x1c7: {  	[tilespmem:s8+$0x8D90] =	vst v10;
	v54 =	vld [tilespmem:s8+$0x5DC0]  }
0x1c8: {  	v55 =	vld [tilespmem:s8+$0x7DD0];
	[tilespmem:s8+$0x9DF0] =	vst v50;
	v53 =	vadd.f32 v7, v0;
	v4 =	vadd.f32 v44, v10  }
0x1c9: {  	v56 =	vld [tilespmem:s8+$0x5DD0];
	[tilespmem:s8+$0x8DA0] =	vst v6  }
0x1ca: {  	v57 =	vld [tilespmem:s8+$0x7DE0];
	[tilespmem:s8+$0x9D80] =	vst v53;
	v4 =	vadd.f32 v4, v0  }
0x1cb: {  	v58 =	vld [tilespmem:s8+$0x5DE0];
	[tilespmem:s8+$0x8DB0] =	vst v48  }
0x1cc: {  	v2 =	vadd.f32 v47, v6;
	[tilespmem:s8+$0x9D90] =	vst v4  }
0x1cd: {  	[tilespmem:s8+$0x8DC0] =	vst v52;
	v3 =	vadd.f32 v51, v48  }
0x1ce: {  	v2 =	vadd.f32 v2, v0;
	v60 =	vadd.f32 v54, v52;
	[tilespmem:s8+$0x8DD0] =	vst v55  }
0x1cf: {  	v1 =	vadd.f32 v56, v55;
	[tilespmem:s8+$0x8DE0] =	vst v57;
	v59 =	vadd.f32 v3, v0  }
0x1d0: {  	s21 =	rddreg [dreg:$0xe];
	v62 =	vadd.f32 v58, v57;
	[tilespmem:s8+$0x9DA0] =	vst v2;
	v61 =	vadd.f32 v60, v0  }
0x1d1: {  	s1 =	sor.u32 s21, s16;
	v1 =	vadd.f32 v1, v0;
	[tilespmem:s8+$0x9DB0] =	vst v59  }
0x1d2: {  	s1 =	sor.u32 s24, s1;
	v63 =	vadd.f32 v62, v0;
	[tilespmem:s8+$0x9DC0] =	vst v61  }
.Ltmp10:
0x1d3: {  	s1 =	sshrl.u32 s1, $0x3;
	[tilespmem:s8+$0x9DD0] =	vst v1;
	(pc) =	sbr.rel .LBB2_14-.Ltmp10, $4  }
0x1d4: {  	s24 =	sadd.s32 s6, s1;
	[tilespmem:s8+$0x9DE0] =	vst v63  }
0x1d5: {  	[hbm4b:s24+s28] =	stream.strided.scatter [tilespmem:s4], [sflag:$0x3], $0x1000, s29, s28, $0x38;
	[tilespmem:$0x1A1A8] =	vst v63  }
0x1d6: {  	s1 =	sadd.s32 s5, s1  }
0x1d7: {  	[hbm4b:s1+s28] =	stream.strided.scatter [tilespmem:s26], [sflag:$0x4], $0x1000, s29, s28, $0x38;
	[tilespmem:$0x1A1A8] =	vst v63  }
.LBB2_16:
0x1d8: {  	_ =	sfence.sel $0x180000  }
0x1d9: {  	[bflag:$0x0] =	sbarrier.arrive $0xFFFF  }
0x1da: {  	_ =	strace $0x90000047  }
0x1db: {  	[bflag:$0x2] =	sbarrier.arrive $0xFFFF  }
0x1dc: {  	s0 =	rddreg [dreg:$0x8]  }
0x1dd: {  	s0 =	sadd.s32 @!p0 $0x100000, s0  }
0x1de: {  	[sflag:s0] =	ssyncadd.tile.s32 @!p0 $0x1;
	_ =	shalt  }
.Lfunc_end2:
_tile_overlayer_lowered:
.L_overlay_start_2:
0x1df: {  	(tag) =	ssettag $0x2  }
0x1e0: {  	s0 =	rddreg [dreg:$0x0];
	s2 =	stileid.u32  }
0x1e1: {  	s1 =	rddreg [dreg:$0x1];
	p0 =	sne.s32 s2, $0x0  }
0x1e2: {  	s3 =	rddreg [dreg:$0x2];
	[bflag:$0x3] =	sbarrier.arrive $0xFFFF;
	s2 =	simm.s32 @!p0 $0x1C05  }
0x1e3: {  	[timem:s3], [sflag:s2] =	dma.local @!p0 [hbm:s0], s1  }
0x1e4: {  	s0 =	simm.s32 @!p0 $0x5  }
0x1e5: {  	_ =	swait.ge @!p0 [sflag:s0], s1  }
0x1e6: {  	s1 =	ssub.s32 @!p0 $0x0, s1;
	[sflag:s0] =	ssyncset.done @!p0 $0x0  }
0x1e7: {  	[sflag:s0] =	ssyncadd.s32 @!p0 s1  }
0x1e8: {  	[bflag:$0x3] =	sbarrier.arrive $0xFFFF  }
0x1e9: {  	_ =	shalt  }

</sc_bundles>
